<compile_context>
chip_gen: v7x
topology: tpu7x:2x2x1
jax: 0.10.2.dev20260603
libtpu: 0.0.44.dev20260713+nightly
codegen_flags: <defaults>
</compile_context>

<pallas_src>
import functools

import jax
import jax.numpy as jnp
from jax import lax
from jax.experimental import pallas as pl
from jax.experimental.pallas import tpu as pltpu
from jax.experimental.pallas import tpu_sc as plsc

_BATCH = 16384
_DIM = 32
_DEPTH = 8


def _make_gather(batch, dim):
    info = plsc.get_sparse_core_info()
    nc, ns = info.num_cores, info.num_subcores
    nw = nc * ns
    b_per_w = batch // nw
    n_groups = b_per_w // _DEPTH - 1
    mesh = plsc.VectorSubcoreMesh(core_axis_name="c", subcore_axis_name="s")

    scratch = [pltpu.VMEM((b_per_w,), jnp.int32),
               pltpu.VMEM((dim, b_per_w), jnp.float32)]
    scratch += [pltpu.VMEM((dim, 128), jnp.float32) for _ in range(_DEPTH)]
    scratch += [pltpu.SemaphoreType.DMA for _ in range(_DEPTH)]

    @functools.partial(
        pl.kernel,
        mesh=mesh,
        out_type=jax.ShapeDtypeStruct((dim, batch), jnp.float32),
        scratch_types=scratch,
        compiler_params=pltpu.CompilerParams(needs_layout_passes=False),
    )
    def gather_kernel(idx_hbm, table_hbm, out_hbm, idx_v, slab_v, *ring):
        bufs = ring[:_DEPTH]
        sems = ring[_DEPTH:]
        wid = lax.axis_index("s") * nc + lax.axis_index("c")
        base = wid * b_per_w
        pltpu.sync_copy(idx_hbm.at[pl.ds(base, b_per_w)], idx_v)

        rows0 = lax.iota(jnp.int32, 16)
        rows1 = rows0 + 16

        def read_id(j):
            chunk = idx_v[pl.ds(lax.shift_right_logical(j, 4) * 16, 16)]
            sel = jnp.where(rows0 == (j & 15), chunk, 0)
            return jnp.max(sel)

        def fire(r, j, dep=0):
            tc = lax.shift_right_logical(read_id(j), 7) + dep
            pltpu.async_copy(
                table_hbm.at[:, pl.ds(tc * 128, 128)], bufs[r], sems[r]
            )

        def wait(r):
            pltpu.make_async_copy(
                table_hbm.at[:, pl.ds(0, 128)], bufs[r], sems[r]
            ).wait()

        def extract(r, j):
            lane = read_id(j) & 127
            lane_v = jnp.zeros((16,), jnp.int32) + lane
            j_v = jnp.zeros((16,), jnp.int32) + j
            x0 = plsc.load_gather(bufs[r], [rows0, lane_v])
            x1 = plsc.load_gather(bufs[r], [rows1, lane_v])
            plsc.store_scatter(slab_v, [rows0, j_v], x0)
            plsc.store_scatter(slab_v, [rows1, j_v], x1)
            bits = jax.lax.bitcast_convert_type(x0, jnp.int32)
            return jnp.min(bits) & 0

        for r in range(_DEPTH):
            fire(r, r)

        def outer(g, carry):
            for r in range(_DEPTH):
                j = g * _DEPTH + r
                wait(r)
                dep = extract(r, j)
                fire(r, j + _DEPTH, dep)
            return carry

        lax.fori_loop(0, n_groups, outer, 0)

        for r in range(_DEPTH):
            j = n_groups * _DEPTH + r
            wait(r)
            extract(r, j)

        plsc.subcore_barrier()
        pltpu.sync_copy(slab_v, out_hbm.at[:, pl.ds(base, b_per_w)])

    return gather_kernel


_gather = _make_gather(_BATCH, _DIM)


def kernel(hero_ids, table):
    out_t = _gather(hero_ids.astype(jnp.int32), table.T)
    return out_t.T

# --- scband reference (transcript-rebuilt; emitter-appended) ---
"""Pipeline reference for scband-process-embedding-58746562674691 (READ-ONLY COPY).

The authoritative reference and input builder live on the scoring server;
editing this copy changes nothing except your own understanding.
"""

import jax, jax.numpy as jnp
import numpy as np

NUM_EMBEDDINGS = 1000000
EMBEDDING_DIM = 32
BATCH = 16384

def setup_inputs(seed: int = 0) -> dict:
    key = jax.random.key(seed)
    k_idx, k_tab = jax.random.split(key)
    hero_ids = jax.random.randint(k_idx, (BATCH,), 0, NUM_EMBEDDINGS, dtype=jnp.int64 if jax.config.jax_enable_x64 else jnp.int32)
    table = jax.random.normal(k_tab, (NUM_EMBEDDINGS, EMBEDDING_DIM), dtype=jnp.float32)
    return {"hero_ids": hero_ids, "table": table}

def reference(hero_ids, table):
    # The original module maps hero_ids -> integer process_ids via a dict, then
    # looks them up in nn.Embedding. With an identity id->idx mapping this is a
    # pure embedding gather: table[process_ids].
    return jnp.take(table, hero_ids, axis=0)

if __name__ == "__main__":
    import jax
    _d = setup_inputs()
    print(jax.jit(kernel)(*tuple(_d.values())))

</pallas_src>

<mosaic_0001>
#map = affine_map<(d0, d1) -> (0)>
#map1 = affine_map<(d0, d1) -> (0, 0)>
module attributes {stable_mosaic.version = 14 : i64} {
  func.func @gather_kernel(%arg0: i32, %arg1: i32, %arg2: memref<16384xi32, #tpu.memory_space<hbm>>, %arg3: memref<32x1000000xf32, #tpu.memory_space<hbm>>, %arg4: memref<32x16384xf32, #tpu.memory_space<hbm>>, %arg5: memref<512xi32, #tpu.memory_space<vmem>>, %arg6: memref<32x512xf32, #tpu.memory_space<vmem>>, %arg7: memref<32x128xf32, #tpu.memory_space<vmem>>, %arg8: memref<32x128xf32, #tpu.memory_space<vmem>>, %arg9: memref<32x128xf32, #tpu.memory_space<vmem>>, %arg10: memref<32x128xf32, #tpu.memory_space<vmem>>, %arg11: memref<32x128xf32, #tpu.memory_space<vmem>>, %arg12: memref<32x128xf32, #tpu.memory_space<vmem>>, %arg13: memref<32x128xf32, #tpu.memory_space<vmem>>, %arg14: memref<32x128xf32, #tpu.memory_space<vmem>>, %arg15: memref<!tpu.dma_semaphore, #tpu.memory_space<semaphore_mem>>, %arg16: memref<!tpu.dma_semaphore, #tpu.memory_space<semaphore_mem>>, %arg17: memref<!tpu.dma_semaphore, #tpu.memory_space<semaphore_mem>>, %arg18: memref<!tpu.dma_semaphore, #tpu.memory_space<semaphore_mem>>, %arg19: memref<!tpu.dma_semaphore, #tpu.memory_space<semaphore_mem>>, %arg20: memref<!tpu.dma_semaphore, #tpu.memory_space<semaphore_mem>>, %arg21: memref<!tpu.dma_semaphore, #tpu.memory_space<semaphore_mem>>, %arg22: memref<!tpu.dma_semaphore, #tpu.memory_space<semaphore_mem>>) attributes {dimension_semantics = [#tpu.dimension_semantics<core_parallel>, #tpu.dimension_semantics<subcore_parallel>], iteration_bounds = array<i64: 2, 16>, scalar_prefetch = 0 : i64, scratch_operands = 18 : i64, tpu.core_type = #tpu.core_type<sc_vector_subcore>, window_params = [{transform_indices = #map}, {transform_indices = #map1}, {transform_indices = #map1}]} {
    %mul3A = arith.constant 2 : i32
    %mul3A_0 = arith.muli %arg1, %mul3A : i32
    %add3A = arith.addi %mul3A_0, %arg0 : i32
    %mul3A_1 = arith.constant 512 : i32
    %mul3A_2 = arith.muli %add3A, %mul3A_1 : i32
    "tpu.region"() ({
      %run_scoped3A = tpu.sem_alloc : memref<!tpu.dma_semaphore, #tpu.memory_space<semaphore_mem>>
      %dma_start3A_654 = tpu.memref_slice %arg2[%mul3A_2] : memref<16384xi32, #tpu.memory_space<hbm>> -> memref<512xi32, #tpu.memory_space<hbm>>
      %dma_start3A_655 = tpu.memref_slice %arg2[%mul3A_2] : memref<16384xi32, #tpu.memory_space<hbm>> -> memref<512xi32, #tpu.memory_space<hbm>>
      tpu.enqueue_dma source(%dma_start3A_655 : memref<512xi32, #tpu.memory_space<hbm>>) target(%arg5 : memref<512xi32, #tpu.memory_space<vmem>>) target_semaphore(%run_scoped3A : memref<!tpu.dma_semaphore, #tpu.memory_space<semaphore_mem>>)
      %dma_wait3A_656 = tpu.memref_slice %arg2[%mul3A_2] : memref<16384xi32, #tpu.memory_space<hbm>> -> memref<512xi32, #tpu.memory_space<hbm>>
      %dma_wait3A_657 = tpu.memref_slice %arg2[%mul3A_2] : memref<16384xi32, #tpu.memory_space<hbm>> -> memref<512xi32, #tpu.memory_space<hbm>>
      tpu.wait_dma2 semaphore(%run_scoped3A : memref<!tpu.dma_semaphore, #tpu.memory_space<semaphore_mem>>) src(%dma_wait3A_657 : memref<512xi32, #tpu.memory_space<hbm>>) dst(%arg5 : memref<512xi32, #tpu.memory_space<vmem>>)
      tpu.yield
    }) : () -> ()
    %iota3A = tpu.iota {dimensions = array<i32: 0>} : vector<16xi32>
    %add3A_3 = arith.constant 16 : i32
    %add3A_4 = vector.broadcast %add3A_3 : i32 to vector<16xi32>
    %add3A_5 = arith.addi %iota3A, %add3A_4 : vector<16xi32>
    %shift_right_logical3A = arith.constant 0 : i32
    %shift_right_logical3A_6 = arith.constant 4 : i32
    %shift_right_logical3A_7 = arith.shrui %shift_right_logical3A, %shift_right_logical3A_6 : i32
    %mul3A_8 = arith.constant 16 : i32
    %mul3A_9 = arith.muli %shift_right_logical3A_7, %mul3A_8 : i32
    %get3A = arith.index_cast %mul3A_9 : i32 to index
    %get3A_10 = tpu.vector_load %arg5[%get3A] {strides = array<i32>} : memref<512xi32, #tpu.memory_space<vmem>>, vector<16xi32>,
    %eq3A = arith.constant 0 : i32
    %eq3A_11 = vector.broadcast %eq3A : i32 to vector<16xi32>
    %eq3A_12 = arith.cmpi eq, %iota3A, %eq3A_11 : vector<16xi32>
    %jit3A = arith.constant 0 : i32
    %broadcast_in_dim3A = vector.broadcast %jit3A : i32 to vector<16xi32>
    %select_n3A = arith.select %eq3A_12, %get3A_10, %broadcast_in_dim3A : vector<16xi1>, vector<16xi32>
    %reduce_max3A = arith.constant true
    %reduce_max3A_13 = vector.broadcast %reduce_max3A : i1 to vector<16xi1>
    %reduce_max3A_14 = arith.constant -2147483648 : i32
    %reduce_max3A_15 = vector.broadcast %reduce_max3A_14 : i32 to vector<16xi32>
    %reduce_max3A_16 = arith.xori %select_n3A, %reduce_max3A_15 : vector<16xi32>
    %reduce_max3A_17 = tpu.scan <max>, %reduce_max3A_16 masked %reduce_max3A_13 : vector<16xi32>, vector<16xi1> -> vector<16xi32>
    %reduce_max3A_18 = arith.xori %reduce_max3A_17, %reduce_max3A_15 : vector<16xi32>
    %reduce_max3A_19 = vector.extract %reduce_max3A_18[15] : i32 from vector<16xi32>
    %shift_right_logical3A_20 = arith.constant 7 : i32
    %shift_right_logical3A_21 = arith.shrui %reduce_max3A_19, %shift_right_logical3A_20 : i32
    %add3A_22 = arith.constant 0 : i32
    %add3A_23 = arith.addi %shift_right_logical3A_21, %add3A_22 : i32
    %mul3A_24 = arith.constant 128 : i32
    %mul3A_25 = arith.muli %add3A_23, %mul3A_24 : i32
    %dma_start3A = arith.constant 0 : i32
    %dma_start3A_26 = tpu.memref_slice %arg3[%dma_start3A, %mul3A_25] : memref<32x1000000xf32, #tpu.memory_space<hbm>> -> memref<32x128xf32, #tpu.memory_space<hbm>>
    %dma_start3A_27 = arith.constant 0 : i32
    %dma_start3A_28 = tpu.memref_slice %arg3[%dma_start3A_27, %mul3A_25] : memref<32x1000000xf32, #tpu.memory_space<hbm>> -> memref<32x128xf32, #tpu.memory_space<hbm>>
    tpu.enqueue_dma source(%dma_start3A_28 : memref<32x128xf32, #tpu.memory_space<hbm>>) target(%arg7 : memref<32x128xf32, #tpu.memory_space<vmem>>) target_semaphore(%arg15 : memref<!tpu.dma_semaphore, #tpu.memory_space<semaphore_mem>>)
    %shift_right_logical3A_29 = arith.constant 1 : i32
    %shift_right_logical3A_30 = arith.constant 4 : i32
    %shift_right_logical3A_31 = arith.shrui %shift_right_logical3A_29, %shift_right_logical3A_30 : i32
    %mul3A_32 = arith.constant 16 : i32
    %mul3A_33 = arith.muli %shift_right_logical3A_31, %mul3A_32 : i32
    %get3A_34 = arith.index_cast %mul3A_33 : i32 to index
    %get3A_35 = tpu.vector_load %arg5[%get3A_34] {strides = array<i32>} : memref<512xi32, #tpu.memory_space<vmem>>, vector<16xi32>,
    %eq3A_36 = arith.constant 1 : i32
    %eq3A_37 = vector.broadcast %eq3A_36 : i32 to vector<16xi32>
    %eq3A_38 = arith.cmpi eq, %iota3A, %eq3A_37 : vector<16xi32>
    %jit3A_39 = arith.constant 0 : i32
    %broadcast_in_dim3A_40 = vector.broadcast %jit3A_39 : i32 to vector<16xi32>
    %select_n3A_41 = arith.select %eq3A_38, %get3A_35, %broadcast_in_dim3A_40 : vector<16xi1>, vector<16xi32>
    %reduce_max3A_42 = arith.constant true
    %reduce_max3A_43 = vector.broadcast %reduce_max3A_42 : i1 to vector<16xi1>
    %reduce_max3A_44 = arith.constant -2147483648 : i32
    %reduce_max3A_45 = vector.broadcast %reduce_max3A_44 : i32 to vector<16xi32>
    %reduce_max3A_46 = arith.xori %select_n3A_41, %reduce_max3A_45 : vector<16xi32>
    %reduce_max3A_47 = tpu.scan <max>, %reduce_max3A_46 masked %reduce_max3A_43 : vector<16xi32>, vector<16xi1> -> vector<16xi32>
    %reduce_max3A_48 = arith.xori %reduce_max3A_47, %reduce_max3A_45 : vector<16xi32>
    %reduce_max3A_49 = vector.extract %reduce_max3A_48[15] : i32 from vector<16xi32>
    %shift_right_logical3A_50 = arith.constant 7 : i32
    %shift_right_logical3A_51 = arith.shrui %reduce_max3A_49, %shift_right_logical3A_50 : i32
    %add3A_52 = arith.constant 0 : i32
    %add3A_53 = arith.addi %shift_right_logical3A_51, %add3A_52 : i32
    %mul3A_54 = arith.constant 128 : i32
    %mul3A_55 = arith.muli %add3A_53, %mul3A_54 : i32
    %dma_start3A_56 = arith.constant 0 : i32
    %dma_start3A_57 = tpu.memref_slice %arg3[%dma_start3A_56, %mul3A_55] : memref<32x1000000xf32, #tpu.memory_space<hbm>> -> memref<32x128xf32, #tpu.memory_space<hbm>>
    %dma_start3A_58 = arith.constant 0 : i32
    %dma_start3A_59 = tpu.memref_slice %arg3[%dma_start3A_58, %mul3A_55] : memref<32x1000000xf32, #tpu.memory_space<hbm>> -> memref<32x128xf32, #tpu.memory_space<hbm>>
    tpu.enqueue_dma source(%dma_start3A_59 : memref<32x128xf32, #tpu.memory_space<hbm>>) target(%arg8 : memref<32x128xf32, #tpu.memory_space<vmem>>) target_semaphore(%arg16 : memref<!tpu.dma_semaphore, #tpu.memory_space<semaphore_mem>>)
    %shift_right_logical3A_60 = arith.constant 2 : i32
    %shift_right_logical3A_61 = arith.constant 4 : i32
    %shift_right_logical3A_62 = arith.shrui %shift_right_logical3A_60, %shift_right_logical3A_61 : i32
    %mul3A_63 = arith.constant 16 : i32
    %mul3A_64 = arith.muli %shift_right_logical3A_62, %mul3A_63 : i32
    %get3A_65 = arith.index_cast %mul3A_64 : i32 to index
    %get3A_66 = tpu.vector_load %arg5[%get3A_65] {strides = array<i32>} : memref<512xi32, #tpu.memory_space<vmem>>, vector<16xi32>,
    %eq3A_67 = arith.constant 2 : i32
    %eq3A_68 = vector.broadcast %eq3A_67 : i32 to vector<16xi32>
    %eq3A_69 = arith.cmpi eq, %iota3A, %eq3A_68 : vector<16xi32>
    %jit3A_70 = arith.constant 0 : i32
    %broadcast_in_dim3A_71 = vector.broadcast %jit3A_70 : i32 to vector<16xi32>
    %select_n3A_72 = arith.select %eq3A_69, %get3A_66, %broadcast_in_dim3A_71 : vector<16xi1>, vector<16xi32>
    %reduce_max3A_73 = arith.constant true
    %reduce_max3A_74 = vector.broadcast %reduce_max3A_73 : i1 to vector<16xi1>
    %reduce_max3A_75 = arith.constant -2147483648 : i32
    %reduce_max3A_76 = vector.broadcast %reduce_max3A_75 : i32 to vector<16xi32>
    %reduce_max3A_77 = arith.xori %select_n3A_72, %reduce_max3A_76 : vector<16xi32>
    %reduce_max3A_78 = tpu.scan <max>, %reduce_max3A_77 masked %reduce_max3A_74 : vector<16xi32>, vector<16xi1> -> vector<16xi32>
    %reduce_max3A_79 = arith.xori %reduce_max3A_78, %reduce_max3A_76 : vector<16xi32>
    %reduce_max3A_80 = vector.extract %reduce_max3A_79[15] : i32 from vector<16xi32>
    %shift_right_logical3A_81 = arith.constant 7 : i32
    %shift_right_logical3A_82 = arith.shrui %reduce_max3A_80, %shift_right_logical3A_81 : i32
    %add3A_83 = arith.constant 0 : i32
    %add3A_84 = arith.addi %shift_right_logical3A_82, %add3A_83 : i32
    %mul3A_85 = arith.constant 128 : i32
    %mul3A_86 = arith.muli %add3A_84, %mul3A_85 : i32
    %dma_start3A_87 = arith.constant 0 : i32
    %dma_start3A_88 = tpu.memref_slice %arg3[%dma_start3A_87, %mul3A_86] : memref<32x1000000xf32, #tpu.memory_space<hbm>> -> memref<32x128xf32, #tpu.memory_space<hbm>>
    %dma_start3A_89 = arith.constant 0 : i32
    %dma_start3A_90 = tpu.memref_slice %arg3[%dma_start3A_89, %mul3A_86] : memref<32x1000000xf32, #tpu.memory_space<hbm>> -> memref<32x128xf32, #tpu.memory_space<hbm>>
    tpu.enqueue_dma source(%dma_start3A_90 : memref<32x128xf32, #tpu.memory_space<hbm>>) target(%arg9 : memref<32x128xf32, #tpu.memory_space<vmem>>) target_semaphore(%arg17 : memref<!tpu.dma_semaphore, #tpu.memory_space<semaphore_mem>>)
    %shift_right_logical3A_91 = arith.constant 3 : i32
    %shift_right_logical3A_92 = arith.constant 4 : i32
    %shift_right_logical3A_93 = arith.shrui %shift_right_logical3A_91, %shift_right_logical3A_92 : i32
    %mul3A_94 = arith.constant 16 : i32
    %mul3A_95 = arith.muli %shift_right_logical3A_93, %mul3A_94 : i32
    %get3A_96 = arith.index_cast %mul3A_95 : i32 to index
    %get3A_97 = tpu.vector_load %arg5[%get3A_96] {strides = array<i32>} : memref<512xi32, #tpu.memory_space<vmem>>, vector<16xi32>,
    %eq3A_98 = arith.constant 3 : i32
    %eq3A_99 = vector.broadcast %eq3A_98 : i32 to vector<16xi32>
    %eq3A_100 = arith.cmpi eq, %iota3A, %eq3A_99 : vector<16xi32>
    %jit3A_101 = arith.constant 0 : i32
    %broadcast_in_dim3A_102 = vector.broadcast %jit3A_101 : i32 to vector<16xi32>
    %select_n3A_103 = arith.select %eq3A_100, %get3A_97, %broadcast_in_dim3A_102 : vector<16xi1>, vector<16xi32>
    %reduce_max3A_104 = arith.constant true
    %reduce_max3A_105 = vector.broadcast %reduce_max3A_104 : i1 to vector<16xi1>
    %reduce_max3A_106 = arith.constant -2147483648 : i32
    %reduce_max3A_107 = vector.broadcast %reduce_max3A_106 : i32 to vector<16xi32>
    %reduce_max3A_108 = arith.xori %select_n3A_103, %reduce_max3A_107 : vector<16xi32>
    %reduce_max3A_109 = tpu.scan <max>, %reduce_max3A_108 masked %reduce_max3A_105 : vector<16xi32>, vector<16xi1> -> vector<16xi32>
    %reduce_max3A_110 = arith.xori %reduce_max3A_109, %reduce_max3A_107 : vector<16xi32>
    %reduce_max3A_111 = vector.extract %reduce_max3A_110[15] : i32 from vector<16xi32>
    %shift_right_logical3A_112 = arith.constant 7 : i32
    %shift_right_logical3A_113 = arith.shrui %reduce_max3A_111, %shift_right_logical3A_112 : i32
    %add3A_114 = arith.constant 0 : i32
    %add3A_115 = arith.addi %shift_right_logical3A_113, %add3A_114 : i32
    %mul3A_116 = arith.constant 128 : i32
    %mul3A_117 = arith.muli %add3A_115, %mul3A_116 : i32
    %dma_start3A_118 = arith.constant 0 : i32
    %dma_start3A_119 = tpu.memref_slice %arg3[%dma_start3A_118, %mul3A_117] : memref<32x1000000xf32, #tpu.memory_space<hbm>> -> memref<32x128xf32, #tpu.memory_space<hbm>>
    %dma_start3A_120 = arith.constant 0 : i32
    %dma_start3A_121 = tpu.memref_slice %arg3[%dma_start3A_120, %mul3A_117] : memref<32x1000000xf32, #tpu.memory_space<hbm>> -> memref<32x128xf32, #tpu.memory_space<hbm>>
    tpu.enqueue_dma source(%dma_start3A_121 : memref<32x128xf32, #tpu.memory_space<hbm>>) target(%arg10 : memref<32x128xf32, #tpu.memory_space<vmem>>) target_semaphore(%arg18 : memref<!tpu.dma_semaphore, #tpu.memory_space<semaphore_mem>>)
    %shift_right_logical3A_122 = arith.constant 4 : i32
    %shift_right_logical3A_123 = arith.constant 4 : i32
    %shift_right_logical3A_124 = arith.shrui %shift_right_logical3A_122, %shift_right_logical3A_123 : i32
    %mul3A_125 = arith.constant 16 : i32
    %mul3A_126 = arith.muli %shift_right_logical3A_124, %mul3A_125 : i32
    %get3A_127 = arith.index_cast %mul3A_126 : i32 to index
    %get3A_128 = tpu.vector_load %arg5[%get3A_127] {strides = array<i32>} : memref<512xi32, #tpu.memory_space<vmem>>, vector<16xi32>,
    %eq3A_129 = arith.constant 4 : i32
    %eq3A_130 = vector.broadcast %eq3A_129 : i32 to vector<16xi32>
    %eq3A_131 = arith.cmpi eq, %iota3A, %eq3A_130 : vector<16xi32>
    %jit3A_132 = arith.constant 0 : i32
    %broadcast_in_dim3A_133 = vector.broadcast %jit3A_132 : i32 to vector<16xi32>
    %select_n3A_134 = arith.select %eq3A_131, %get3A_128, %broadcast_in_dim3A_133 : vector<16xi1>, vector<16xi32>
    %reduce_max3A_135 = arith.constant true
    %reduce_max3A_136 = vector.broadcast %reduce_max3A_135 : i1 to vector<16xi1>
    %reduce_max3A_137 = arith.constant -2147483648 : i32
    %reduce_max3A_138 = vector.broadcast %reduce_max3A_137 : i32 to vector<16xi32>
    %reduce_max3A_139 = arith.xori %select_n3A_134, %reduce_max3A_138 : vector<16xi32>
    %reduce_max3A_140 = tpu.scan <max>, %reduce_max3A_139 masked %reduce_max3A_136 : vector<16xi32>, vector<16xi1> -> vector<16xi32>
    %reduce_max3A_141 = arith.xori %reduce_max3A_140, %reduce_max3A_138 : vector<16xi32>
    %reduce_max3A_142 = vector.extract %reduce_max3A_141[15] : i32 from vector<16xi32>
    %shift_right_logical3A_143 = arith.constant 7 : i32
    %shift_right_logical3A_144 = arith.shrui %reduce_max3A_142, %shift_right_logical3A_143 : i32
    %add3A_145 = arith.constant 0 : i32
    %add3A_146 = arith.addi %shift_right_logical3A_144, %add3A_145 : i32
    %mul3A_147 = arith.constant 128 : i32
    %mul3A_148 = arith.muli %add3A_146, %mul3A_147 : i32
    %dma_start3A_149 = arith.constant 0 : i32
    %dma_start3A_150 = tpu.memref_slice %arg3[%dma_start3A_149, %mul3A_148] : memref<32x1000000xf32, #tpu.memory_space<hbm>> -> memref<32x128xf32, #tpu.memory_space<hbm>>
    %dma_start3A_151 = arith.constant 0 : i32
    %dma_start3A_152 = tpu.memref_slice %arg3[%dma_start3A_151, %mul3A_148] : memref<32x1000000xf32, #tpu.memory_space<hbm>> -> memref<32x128xf32, #tpu.memory_space<hbm>>
    tpu.enqueue_dma source(%dma_start3A_152 : memref<32x128xf32, #tpu.memory_space<hbm>>) target(%arg11 : memref<32x128xf32, #tpu.memory_space<vmem>>) target_semaphore(%arg19 : memref<!tpu.dma_semaphore, #tpu.memory_space<semaphore_mem>>)
    %shift_right_logical3A_153 = arith.constant 5 : i32
    %shift_right_logical3A_154 = arith.constant 4 : i32
    %shift_right_logical3A_155 = arith.shrui %shift_right_logical3A_153, %shift_right_logical3A_154 : i32
    %mul3A_156 = arith.constant 16 : i32
    %mul3A_157 = arith.muli %shift_right_logical3A_155, %mul3A_156 : i32
    %get3A_158 = arith.index_cast %mul3A_157 : i32 to index
    %get3A_159 = tpu.vector_load %arg5[%get3A_158] {strides = array<i32>} : memref<512xi32, #tpu.memory_space<vmem>>, vector<16xi32>,
    %eq3A_160 = arith.constant 5 : i32
    %eq3A_161 = vector.broadcast %eq3A_160 : i32 to vector<16xi32>
    %eq3A_162 = arith.cmpi eq, %iota3A, %eq3A_161 : vector<16xi32>
    %jit3A_163 = arith.constant 0 : i32
    %broadcast_in_dim3A_164 = vector.broadcast %jit3A_163 : i32 to vector<16xi32>
    %select_n3A_165 = arith.select %eq3A_162, %get3A_159, %broadcast_in_dim3A_164 : vector<16xi1>, vector<16xi32>
    %reduce_max3A_166 = arith.constant true
    %reduce_max3A_167 = vector.broadcast %reduce_max3A_166 : i1 to vector<16xi1>
    %reduce_max3A_168 = arith.constant -2147483648 : i32
    %reduce_max3A_169 = vector.broadcast %reduce_max3A_168 : i32 to vector<16xi32>
    %reduce_max3A_170 = arith.xori %select_n3A_165, %reduce_max3A_169 : vector<16xi32>
    %reduce_max3A_171 = tpu.scan <max>, %reduce_max3A_170 masked %reduce_max3A_167 : vector<16xi32>, vector<16xi1> -> vector<16xi32>
    %reduce_max3A_172 = arith.xori %reduce_max3A_171, %reduce_max3A_169 : vector<16xi32>
    %reduce_max3A_173 = vector.extract %reduce_max3A_172[15] : i32 from vector<16xi32>
    %shift_right_logical3A_174 = arith.constant 7 : i32
    %shift_right_logical3A_175 = arith.shrui %reduce_max3A_173, %shift_right_logical3A_174 : i32
    %add3A_176 = arith.constant 0 : i32
    %add3A_177 = arith.addi %shift_right_logical3A_175, %add3A_176 : i32
    %mul3A_178 = arith.constant 128 : i32
    %mul3A_179 = arith.muli %add3A_177, %mul3A_178 : i32
    %dma_start3A_180 = arith.constant 0 : i32
    %dma_start3A_181 = tpu.memref_slice %arg3[%dma_start3A_180, %mul3A_179] : memref<32x1000000xf32, #tpu.memory_space<hbm>> -> memref<32x128xf32, #tpu.memory_space<hbm>>
    %dma_start3A_182 = arith.constant 0 : i32
    %dma_start3A_183 = tpu.memref_slice %arg3[%dma_start3A_182, %mul3A_179] : memref<32x1000000xf32, #tpu.memory_space<hbm>> -> memref<32x128xf32, #tpu.memory_space<hbm>>
    tpu.enqueue_dma source(%dma_start3A_183 : memref<32x128xf32, #tpu.memory_space<hbm>>) target(%arg12 : memref<32x128xf32, #tpu.memory_space<vmem>>) target_semaphore(%arg20 : memref<!tpu.dma_semaphore, #tpu.memory_space<semaphore_mem>>)
    %shift_right_logical3A_184 = arith.constant 6 : i32
    %shift_right_logical3A_185 = arith.constant 4 : i32
    %shift_right_logical3A_186 = arith.shrui %shift_right_logical3A_184, %shift_right_logical3A_185 : i32
    %mul3A_187 = arith.constant 16 : i32
    %mul3A_188 = arith.muli %shift_right_logical3A_186, %mul3A_187 : i32
    %get3A_189 = arith.index_cast %mul3A_188 : i32 to index
    %get3A_190 = tpu.vector_load %arg5[%get3A_189] {strides = array<i32>} : memref<512xi32, #tpu.memory_space<vmem>>, vector<16xi32>,
    %eq3A_191 = arith.constant 6 : i32
    %eq3A_192 = vector.broadcast %eq3A_191 : i32 to vector<16xi32>
    %eq3A_193 = arith.cmpi eq, %iota3A, %eq3A_192 : vector<16xi32>
    %jit3A_194 = arith.constant 0 : i32
    %broadcast_in_dim3A_195 = vector.broadcast %jit3A_194 : i32 to vector<16xi32>
    %select_n3A_196 = arith.select %eq3A_193, %get3A_190, %broadcast_in_dim3A_195 : vector<16xi1>, vector<16xi32>
    %reduce_max3A_197 = arith.constant true
    %reduce_max3A_198 = vector.broadcast %reduce_max3A_197 : i1 to vector<16xi1>
    %reduce_max3A_199 = arith.constant -2147483648 : i32
    %reduce_max3A_200 = vector.broadcast %reduce_max3A_199 : i32 to vector<16xi32>
    %reduce_max3A_201 = arith.xori %select_n3A_196, %reduce_max3A_200 : vector<16xi32>
    %reduce_max3A_202 = tpu.scan <max>, %reduce_max3A_201 masked %reduce_max3A_198 : vector<16xi32>, vector<16xi1> -> vector<16xi32>
    %reduce_max3A_203 = arith.xori %reduce_max3A_202, %reduce_max3A_200 : vector<16xi32>
    %reduce_max3A_204 = vector.extract %reduce_max3A_203[15] : i32 from vector<16xi32>
    %shift_right_logical3A_205 = arith.constant 7 : i32
    %shift_right_logical3A_206 = arith.shrui %reduce_max3A_204, %shift_right_logical3A_205 : i32
    %add3A_207 = arith.constant 0 : i32
    %add3A_208 = arith.addi %shift_right_logical3A_206, %add3A_207 : i32
    %mul3A_209 = arith.constant 128 : i32
    %mul3A_210 = arith.muli %add3A_208, %mul3A_209 : i32
    %dma_start3A_211 = arith.constant 0 : i32
    %dma_start3A_212 = tpu.memref_slice %arg3[%dma_start3A_211, %mul3A_210] : memref<32x1000000xf32, #tpu.memory_space<hbm>> -> memref<32x128xf32, #tpu.memory_space<hbm>>
    %dma_start3A_213 = arith.constant 0 : i32
    %dma_start3A_214 = tpu.memref_slice %arg3[%dma_start3A_213, %mul3A_210] : memref<32x1000000xf32, #tpu.memory_space<hbm>> -> memref<32x128xf32, #tpu.memory_space<hbm>>
    tpu.enqueue_dma source(%dma_start3A_214 : memref<32x128xf32, #tpu.memory_space<hbm>>) target(%arg13 : memref<32x128xf32, #tpu.memory_space<vmem>>) target_semaphore(%arg21 : memref<!tpu.dma_semaphore, #tpu.memory_space<semaphore_mem>>)
    %shift_right_logical3A_215 = arith.constant 7 : i32
    %shift_right_logical3A_216 = arith.constant 4 : i32
    %shift_right_logical3A_217 = arith.shrui %shift_right_logical3A_215, %shift_right_logical3A_216 : i32
    %mul3A_218 = arith.constant 16 : i32
    %mul3A_219 = arith.muli %shift_right_logical3A_217, %mul3A_218 : i32
    %get3A_220 = arith.index_cast %mul3A_219 : i32 to index
    %get3A_221 = tpu.vector_load %arg5[%get3A_220] {strides = array<i32>} : memref<512xi32, #tpu.memory_space<vmem>>, vector<16xi32>,
    %eq3A_222 = arith.constant 7 : i32
    %eq3A_223 = vector.broadcast %eq3A_222 : i32 to vector<16xi32>
    %eq3A_224 = arith.cmpi eq, %iota3A, %eq3A_223 : vector<16xi32>
    %jit3A_225 = arith.constant 0 : i32
    %broadcast_in_dim3A_226 = vector.broadcast %jit3A_225 : i32 to vector<16xi32>
    %select_n3A_227 = arith.select %eq3A_224, %get3A_221, %broadcast_in_dim3A_226 : vector<16xi1>, vector<16xi32>
    %reduce_max3A_228 = arith.constant true
    %reduce_max3A_229 = vector.broadcast %reduce_max3A_228 : i1 to vector<16xi1>
    %reduce_max3A_230 = arith.constant -2147483648 : i32
    %reduce_max3A_231 = vector.broadcast %reduce_max3A_230 : i32 to vector<16xi32>
    %reduce_max3A_232 = arith.xori %select_n3A_227, %reduce_max3A_231 : vector<16xi32>
    %reduce_max3A_233 = tpu.scan <max>, %reduce_max3A_232 masked %reduce_max3A_229 : vector<16xi32>, vector<16xi1> -> vector<16xi32>
    %reduce_max3A_234 = arith.xori %reduce_max3A_233, %reduce_max3A_231 : vector<16xi32>
    %reduce_max3A_235 = vector.extract %reduce_max3A_234[15] : i32 from vector<16xi32>
    %shift_right_logical3A_236 = arith.constant 7 : i32
    %shift_right_logical3A_237 = arith.shrui %reduce_max3A_235, %shift_right_logical3A_236 : i32
    %add3A_238 = arith.constant 0 : i32
    %add3A_239 = arith.addi %shift_right_logical3A_237, %add3A_238 : i32
    %mul3A_240 = arith.constant 128 : i32
    %mul3A_241 = arith.muli %add3A_239, %mul3A_240 : i32
    %dma_start3A_242 = arith.constant 0 : i32
    %dma_start3A_243 = tpu.memref_slice %arg3[%dma_start3A_242, %mul3A_241] : memref<32x1000000xf32, #tpu.memory_space<hbm>> -> memref<32x128xf32, #tpu.memory_space<hbm>>
    %dma_start3A_244 = arith.constant 0 : i32
    %dma_start3A_245 = tpu.memref_slice %arg3[%dma_start3A_244, %mul3A_241] : memref<32x1000000xf32, #tpu.memory_space<hbm>> -> memref<32x128xf32, #tpu.memory_space<hbm>>
    tpu.enqueue_dma source(%dma_start3A_245 : memref<32x128xf32, #tpu.memory_space<hbm>>) target(%arg14 : memref<32x128xf32, #tpu.memory_space<vmem>>) target_semaphore(%arg22 : memref<!tpu.dma_semaphore, #tpu.memory_space<semaphore_mem>>)
    %scan3A = arith.constant 0 : i32
    %scan3A_246 = arith.constant 0 : i32
    %scan3A_247 = arith.constant 63 : i32
    %scan3A_248 = arith.addi %scan3A_246, %scan3A_247 : i32
    %scan3A_249 = arith.constant 1 : i32
    scf.for %scan3A_654 = %scan3A_246 to %scan3A_248 step %scan3A_249  : i32 {
      %mul3A_655 = arith.constant 8 : i32
      %mul3A_656 = arith.muli %scan3A_654, %mul3A_655 : i32
      %add3A_657 = arith.constant 0 : i32
      %add3A_658 = arith.addi %mul3A_656, %add3A_657 : i32
      %dma_wait3A_659 = arith.constant 0 : i32
      %dma_wait3A_660 = arith.constant 0 : i32
      %dma_wait3A_661 = tpu.memref_slice %arg3[%dma_wait3A_659, %dma_wait3A_660] : memref<32x1000000xf32, #tpu.memory_space<hbm>> -> memref<32x128xf32, #tpu.memory_space<hbm>>
      %dma_wait3A_662 = arith.constant 0 : i32
      %dma_wait3A_663 = arith.constant 0 : i32
      %dma_wait3A_664 = tpu.memref_slice %arg3[%dma_wait3A_662, %dma_wait3A_663] : memref<32x1000000xf32, #tpu.memory_space<hbm>> -> memref<32x128xf32, #tpu.memory_space<hbm>>
      tpu.wait_dma2 semaphore(%arg15 : memref<!tpu.dma_semaphore, #tpu.memory_space<semaphore_mem>>) src(%dma_wait3A_664 : memref<32x128xf32, #tpu.memory_space<hbm>>) dst(%arg7 : memref<32x128xf32, #tpu.memory_space<vmem>>)
      %shift_right_logical3A_665 = arith.constant 4 : i32
      %shift_right_logical3A_666 = arith.shrui %add3A_658, %shift_right_logical3A_665 : i32
      %mul3A_667 = arith.constant 16 : i32
      %mul3A_668 = arith.muli %shift_right_logical3A_666, %mul3A_667 : i32
      %get3A_669 = arith.index_cast %mul3A_668 : i32 to index
      %get3A_670 = tpu.vector_load %arg5[%get3A_669] {strides = array<i32>} : memref<512xi32, #tpu.memory_space<vmem>>, vector<16xi32>,
      %and3A_671 = arith.constant 15 : i32
      %and3A_672 = arith.andi %add3A_658, %and3A_671 : i32
      %eq3A_673 = vector.broadcast %and3A_672 : i32 to vector<16xi32>
      %eq3A_674 = arith.cmpi eq, %iota3A, %eq3A_673 : vector<16xi32>
      %jit3A_675 = arith.constant 0 : i32
      %broadcast_in_dim3A_676 = vector.broadcast %jit3A_675 : i32 to vector<16xi32>
      %select_n3A_677 = arith.select %eq3A_674, %get3A_670, %broadcast_in_dim3A_676 : vector<16xi1>, vector<16xi32>
      %reduce_max3A_678 = arith.constant true
      %reduce_max3A_679 = vector.broadcast %reduce_max3A_678 : i1 to vector<16xi1>
      %reduce_max3A_680 = arith.constant -2147483648 : i32
      %reduce_max3A_681 = vector.broadcast %reduce_max3A_680 : i32 to vector<16xi32>
      %reduce_max3A_682 = arith.xori %select_n3A_677, %reduce_max3A_681 : vector<16xi32>
      %reduce_max3A_683 = tpu.scan <max>, %reduce_max3A_682 masked %reduce_max3A_679 : vector<16xi32>, vector<16xi1> -> vector<16xi32>
      %reduce_max3A_684 = arith.xori %reduce_max3A_683, %reduce_max3A_681 : vector<16xi32>
      %reduce_max3A_685 = vector.extract %reduce_max3A_684[15] : i32 from vector<16xi32>
      %and3A_686 = arith.constant 127 : i32
      %and3A_687 = arith.andi %reduce_max3A_685, %and3A_686 : i32
      %broadcast_in_dim3A_688 = arith.constant 0 : i32
      %broadcast_in_dim3A_689 = vector.broadcast %broadcast_in_dim3A_688 : i32 to vector<16xi32>
      %add3A_690 = vector.broadcast %and3A_687 : i32 to vector<16xi32>
      %add3A_691 = arith.addi %broadcast_in_dim3A_689, %add3A_690 : vector<16xi32>
      %broadcast_in_dim3A_692 = arith.constant 0 : i32
      %broadcast_in_dim3A_693 = vector.broadcast %broadcast_in_dim3A_692 : i32 to vector<16xi32>
      %add3A_694 = vector.broadcast %add3A_658 : i32 to vector<16xi32>
      %add3A_695 = arith.addi %broadcast_in_dim3A_693, %add3A_694 : vector<16xi32>
      %gather3A_696 = tpu.vector_load_idx %arg7[%iota3A, %add3A_691] : memref<32x128xf32, #tpu.memory_space<vmem>>[vector<16xi32>, vector<16xi32>], vector<16xf32>,
      %gather3A_697 = tpu.vector_load_idx %arg7[%add3A_5, %add3A_691] : memref<32x128xf32, #tpu.memory_space<vmem>>[vector<16xi32>, vector<16xi32>], vector<16xf32>,
      tpu.vector_store_idx %arg6[%iota3A, %add3A_695], %gather3A_696 : memref<32x512xf32, #tpu.memory_space<vmem>>[vector<16xi32>, vector<16xi32>], vector<16xf32>,
      tpu.vector_store_idx %arg6[%add3A_5, %add3A_695], %gather3A_697 : memref<32x512xf32, #tpu.memory_space<vmem>>[vector<16xi32>, vector<16xi32>], vector<16xf32>,
      %bitcast_convert_type3A_698 = tpu.bitcast %gather3A_696 : vector<16xf32> -> vector<16xi32>
      %reduce_min3A_699 = arith.constant true
      %reduce_min3A_700 = vector.broadcast %reduce_min3A_699 : i1 to vector<16xi1>
      %reduce_min3A_701 = arith.constant -2147483648 : i32
      %reduce_min3A_702 = vector.broadcast %reduce_min3A_701 : i32 to vector<16xi32>
      %reduce_min3A_703 = arith.xori %bitcast_convert_type3A_698, %reduce_min3A_702 : vector<16xi32>
      %reduce_min3A_704 = tpu.scan <min>, %reduce_min3A_703 masked %reduce_min3A_700 : vector<16xi32>, vector<16xi1> -> vector<16xi32>
      %reduce_min3A_705 = arith.xori %reduce_min3A_704, %reduce_min3A_702 : vector<16xi32>
      %reduce_min3A_706 = vector.extract %reduce_min3A_705[15] : i32 from vector<16xi32>
      %and3A_707 = arith.constant 0 : i32
      %and3A_708 = arith.andi %reduce_min3A_706, %and3A_707 : i32
      %add3A_709 = arith.constant 8 : i32
      %add3A_710 = arith.addi %add3A_658, %add3A_709 : i32
      %shift_right_logical3A_711 = arith.constant 4 : i32
      %shift_right_logical3A_712 = arith.shrui %add3A_710, %shift_right_logical3A_711 : i32
      %mul3A_713 = arith.constant 16 : i32
      %mul3A_714 = arith.muli %shift_right_logical3A_712, %mul3A_713 : i32
      %get3A_715 = arith.index_cast %mul3A_714 : i32 to index
      %get3A_716 = tpu.vector_load %arg5[%get3A_715] {strides = array<i32>} : memref<512xi32, #tpu.memory_space<vmem>>, vector<16xi32>,
      %and3A_717 = arith.constant 15 : i32
      %and3A_718 = arith.andi %add3A_710, %and3A_717 : i32
      %eq3A_719 = vector.broadcast %and3A_718 : i32 to vector<16xi32>
      %eq3A_720 = arith.cmpi eq, %iota3A, %eq3A_719 : vector<16xi32>
      %jit3A_721 = arith.constant 0 : i32
      %broadcast_in_dim3A_722 = vector.broadcast %jit3A_721 : i32 to vector<16xi32>
      %select_n3A_723 = arith.select %eq3A_720, %get3A_716, %broadcast_in_dim3A_722 : vector<16xi1>, vector<16xi32>
      %reduce_max3A_724 = arith.constant true
      %reduce_max3A_725 = vector.broadcast %reduce_max3A_724 : i1 to vector<16xi1>
      %reduce_max3A_726 = arith.constant -2147483648 : i32
      %reduce_max3A_727 = vector.broadcast %reduce_max3A_726 : i32 to vector<16xi32>
      %reduce_max3A_728 = arith.xori %select_n3A_723, %reduce_max3A_727 : vector<16xi32>
      %reduce_max3A_729 = tpu.scan <max>, %reduce_max3A_728 masked %reduce_max3A_725 : vector<16xi32>, vector<16xi1> -> vector<16xi32>
      %reduce_max3A_730 = arith.xori %reduce_max3A_729, %reduce_max3A_727 : vector<16xi32>
      %reduce_max3A_731 = vector.extract %reduce_max3A_730[15] : i32 from vector<16xi32>
      %shift_right_logical3A_732 = arith.constant 7 : i32
      %shift_right_logical3A_733 = arith.shrui %reduce_max3A_731, %shift_right_logical3A_732 : i32
      %add3A_734 = arith.addi %shift_right_logical3A_733, %and3A_708 : i32
      %mul3A_735 = arith.constant 128 : i32
      %mul3A_736 = arith.muli %add3A_734, %mul3A_735 : i32
      %dma_start3A_737 = arith.constant 0 : i32
      %dma_start3A_738 = tpu.memref_slice %arg3[%dma_start3A_737, %mul3A_736] : memref<32x1000000xf32, #tpu.memory_space<hbm>> -> memref<32x128xf32, #tpu.memory_space<hbm>>
      %dma_start3A_739 = arith.constant 0 : i32
      %dma_start3A_740 = tpu.memref_slice %arg3[%dma_start3A_739, %mul3A_736] : memref<32x1000000xf32, #tpu.memory_space<hbm>> -> memref<32x128xf32, #tpu.memory_space<hbm>>
      tpu.enqueue_dma source(%dma_start3A_740 : memref<32x128xf32, #tpu.memory_space<hbm>>) target(%arg7 : memref<32x128xf32, #tpu.memory_space<vmem>>) target_semaphore(%arg15 : memref<!tpu.dma_semaphore, #tpu.memory_space<semaphore_mem>>)
      %mul3A_741 = arith.constant 8 : i32
      %mul3A_742 = arith.muli %scan3A_654, %mul3A_741 : i32
      %add3A_743 = arith.constant 1 : i32
      %add3A_744 = arith.addi %mul3A_742, %add3A_743 : i32
      %dma_wait3A_745 = arith.constant 0 : i32
      %dma_wait3A_746 = arith.constant 0 : i32
      %dma_wait3A_747 = tpu.memref_slice %arg3[%dma_wait3A_745, %dma_wait3A_746] : memref<32x1000000xf32, #tpu.memory_space<hbm>> -> memref<32x128xf32, #tpu.memory_space<hbm>>
      %dma_wait3A_748 = arith.constant 0 : i32
      %dma_wait3A_749 = arith.constant 0 : i32
      %dma_wait3A_750 = tpu.memref_slice %arg3[%dma_wait3A_748, %dma_wait3A_749] : memref<32x1000000xf32, #tpu.memory_space<hbm>> -> memref<32x128xf32, #tpu.memory_space<hbm>>
      tpu.wait_dma2 semaphore(%arg16 : memref<!tpu.dma_semaphore, #tpu.memory_space<semaphore_mem>>) src(%dma_wait3A_750 : memref<32x128xf32, #tpu.memory_space<hbm>>) dst(%arg8 : memref<32x128xf32, #tpu.memory_space<vmem>>)
      %shift_right_logical3A_751 = arith.constant 4 : i32
      %shift_right_logical3A_752 = arith.shrui %add3A_744, %shift_right_logical3A_751 : i32
      %mul3A_753 = arith.constant 16 : i32
      %mul3A_754 = arith.muli %shift_right_logical3A_752, %mul3A_753 : i32
      %get3A_755 = arith.index_cast %mul3A_754 : i32 to index
      %get3A_756 = tpu.vector_load %arg5[%get3A_755] {strides = array<i32>} : memref<512xi32, #tpu.memory_space<vmem>>, vector<16xi32>,
      %and3A_757 = arith.constant 15 : i32
      %and3A_758 = arith.andi %add3A_744, %and3A_757 : i32
      %eq3A_759 = vector.broadcast %and3A_758 : i32 to vector<16xi32>
      %eq3A_760 = arith.cmpi eq, %iota3A, %eq3A_759 : vector<16xi32>
      %jit3A_761 = arith.constant 0 : i32
      %broadcast_in_dim3A_762 = vector.broadcast %jit3A_761 : i32 to vector<16xi32>
      %select_n3A_763 = arith.select %eq3A_760, %get3A_756, %broadcast_in_dim3A_762 : vector<16xi1>, vector<16xi32>
      %reduce_max3A_764 = arith.constant true
      %reduce_max3A_765 = vector.broadcast %reduce_max3A_764 : i1 to vector<16xi1>
      %reduce_max3A_766 = arith.constant -2147483648 : i32
      %reduce_max3A_767 = vector.broadcast %reduce_max3A_766 : i32 to vector<16xi32>
      %reduce_max3A_768 = arith.xori %select_n3A_763, %reduce_max3A_767 : vector<16xi32>
      %reduce_max3A_769 = tpu.scan <max>, %reduce_max3A_768 masked %reduce_max3A_765 : vector<16xi32>, vector<16xi1> -> vector<16xi32>
      %reduce_max3A_770 = arith.xori %reduce_max3A_769, %reduce_max3A_767 : vector<16xi32>
      %reduce_max3A_771 = vector.extract %reduce_max3A_770[15] : i32 from vector<16xi32>
      %and3A_772 = arith.constant 127 : i32
      %and3A_773 = arith.andi %reduce_max3A_771, %and3A_772 : i32
      %broadcast_in_dim3A_774 = arith.constant 0 : i32
      %broadcast_in_dim3A_775 = vector.broadcast %broadcast_in_dim3A_774 : i32 to vector<16xi32>
      %add3A_776 = vector.broadcast %and3A_773 : i32 to vector<16xi32>
      %add3A_777 = arith.addi %broadcast_in_dim3A_775, %add3A_776 : vector<16xi32>
      %broadcast_in_dim3A_778 = arith.constant 0 : i32
      %broadcast_in_dim3A_779 = vector.broadcast %broadcast_in_dim3A_778 : i32 to vector<16xi32>
      %add3A_780 = vector.broadcast %add3A_744 : i32 to vector<16xi32>
      %add3A_781 = arith.addi %broadcast_in_dim3A_779, %add3A_780 : vector<16xi32>
      %gather3A_782 = tpu.vector_load_idx %arg8[%iota3A, %add3A_777] : memref<32x128xf32, #tpu.memory_space<vmem>>[vector<16xi32>, vector<16xi32>], vector<16xf32>,
      %gather3A_783 = tpu.vector_load_idx %arg8[%add3A_5, %add3A_777] : memref<32x128xf32, #tpu.memory_space<vmem>>[vector<16xi32>, vector<16xi32>], vector<16xf32>,
      tpu.vector_store_idx %arg6[%iota3A, %add3A_781], %gather3A_782 : memref<32x512xf32, #tpu.memory_space<vmem>>[vector<16xi32>, vector<16xi32>], vector<16xf32>,
      tpu.vector_store_idx %arg6[%add3A_5, %add3A_781], %gather3A_783 : memref<32x512xf32, #tpu.memory_space<vmem>>[vector<16xi32>, vector<16xi32>], vector<16xf32>,
      %bitcast_convert_type3A_784 = tpu.bitcast %gather3A_782 : vector<16xf32> -> vector<16xi32>
      %reduce_min3A_785 = arith.constant true
      %reduce_min3A_786 = vector.broadcast %reduce_min3A_785 : i1 to vector<16xi1>
      %reduce_min3A_787 = arith.constant -2147483648 : i32
      %reduce_min3A_788 = vector.broadcast %reduce_min3A_787 : i32 to vector<16xi32>
      %reduce_min3A_789 = arith.xori %bitcast_convert_type3A_784, %reduce_min3A_788 : vector<16xi32>
      %reduce_min3A_790 = tpu.scan <min>, %reduce_min3A_789 masked %reduce_min3A_786 : vector<16xi32>, vector<16xi1> -> vector<16xi32>
      %reduce_min3A_791 = arith.xori %reduce_min3A_790, %reduce_min3A_788 : vector<16xi32>
      %reduce_min3A_792 = vector.extract %reduce_min3A_791[15] : i32 from vector<16xi32>
      %and3A_793 = arith.constant 0 : i32
      %and3A_794 = arith.andi %reduce_min3A_792, %and3A_793 : i32
      %add3A_795 = arith.constant 8 : i32
      %add3A_796 = arith.addi %add3A_744, %add3A_795 : i32
      %shift_right_logical3A_797 = arith.constant 4 : i32
      %shift_right_logical3A_798 = arith.shrui %add3A_796, %shift_right_logical3A_797 : i32
      %mul3A_799 = arith.constant 16 : i32
      %mul3A_800 = arith.muli %shift_right_logical3A_798, %mul3A_799 : i32
      %get3A_801 = arith.index_cast %mul3A_800 : i32 to index
      %get3A_802 = tpu.vector_load %arg5[%get3A_801] {strides = array<i32>} : memref<512xi32, #tpu.memory_space<vmem>>, vector<16xi32>,
      %and3A_803 = arith.constant 15 : i32
      %and3A_804 = arith.andi %add3A_796, %and3A_803 : i32
      %eq3A_805 = vector.broadcast %and3A_804 : i32 to vector<16xi32>
      %eq3A_806 = arith.cmpi eq, %iota3A, %eq3A_805 : vector<16xi32>
      %jit3A_807 = arith.constant 0 : i32
      %broadcast_in_dim3A_808 = vector.broadcast %jit3A_807 : i32 to vector<16xi32>
      %select_n3A_809 = arith.select %eq3A_806, %get3A_802, %broadcast_in_dim3A_808 : vector<16xi1>, vector<16xi32>
      %reduce_max3A_810 = arith.constant true
      %reduce_max3A_811 = vector.broadcast %reduce_max3A_810 : i1 to vector<16xi1>
      %reduce_max3A_812 = arith.constant -2147483648 : i32
      %reduce_max3A_813 = vector.broadcast %reduce_max3A_812 : i32 to vector<16xi32>
      %reduce_max3A_814 = arith.xori %select_n3A_809, %reduce_max3A_813 : vector<16xi32>
      %reduce_max3A_815 = tpu.scan <max>, %reduce_max3A_814 masked %reduce_max3A_811 : vector<16xi32>, vector<16xi1> -> vector<16xi32>
      %reduce_max3A_816 = arith.xori %reduce_max3A_815, %reduce_max3A_813 : vector<16xi32>
      %reduce_max3A_817 = vector.extract %reduce_max3A_816[15] : i32 from vector<16xi32>
      %shift_right_logical3A_818 = arith.constant 7 : i32
      %shift_right_logical3A_819 = arith.shrui %reduce_max3A_817, %shift_right_logical3A_818 : i32
      %add3A_820 = arith.addi %shift_right_logical3A_819, %and3A_794 : i32
      %mul3A_821 = arith.constant 128 : i32
      %mul3A_822 = arith.muli %add3A_820, %mul3A_821 : i32
      %dma_start3A_823 = arith.constant 0 : i32
      %dma_start3A_824 = tpu.memref_slice %arg3[%dma_start3A_823, %mul3A_822] : memref<32x1000000xf32, #tpu.memory_space<hbm>> -> memref<32x128xf32, #tpu.memory_space<hbm>>
      %dma_start3A_825 = arith.constant 0 : i32
      %dma_start3A_826 = tpu.memref_slice %arg3[%dma_start3A_825, %mul3A_822] : memref<32x1000000xf32, #tpu.memory_space<hbm>> -> memref<32x128xf32, #tpu.memory_space<hbm>>
      tpu.enqueue_dma source(%dma_start3A_826 : memref<32x128xf32, #tpu.memory_space<hbm>>) target(%arg8 : memref<32x128xf32, #tpu.memory_space<vmem>>) target_semaphore(%arg16 : memref<!tpu.dma_semaphore, #tpu.memory_space<semaphore_mem>>)
      %mul3A_827 = arith.constant 8 : i32
      %mul3A_828 = arith.muli %scan3A_654, %mul3A_827 : i32
      %add3A_829 = arith.constant 2 : i32
      %add3A_830 = arith.addi %mul3A_828, %add3A_829 : i32
      %dma_wait3A_831 = arith.constant 0 : i32
      %dma_wait3A_832 = arith.constant 0 : i32
      %dma_wait3A_833 = tpu.memref_slice %arg3[%dma_wait3A_831, %dma_wait3A_832] : memref<32x1000000xf32, #tpu.memory_space<hbm>> -> memref<32x128xf32, #tpu.memory_space<hbm>>
      %dma_wait3A_834 = arith.constant 0 : i32
      %dma_wait3A_835 = arith.constant 0 : i32
      %dma_wait3A_836 = tpu.memref_slice %arg3[%dma_wait3A_834, %dma_wait3A_835] : memref<32x1000000xf32, #tpu.memory_space<hbm>> -> memref<32x128xf32, #tpu.memory_space<hbm>>
      tpu.wait_dma2 semaphore(%arg17 : memref<!tpu.dma_semaphore, #tpu.memory_space<semaphore_mem>>) src(%dma_wait3A_836 : memref<32x128xf32, #tpu.memory_space<hbm>>) dst(%arg9 : memref<32x128xf32, #tpu.memory_space<vmem>>)
      %shift_right_logical3A_837 = arith.constant 4 : i32
      %shift_right_logical3A_838 = arith.shrui %add3A_830, %shift_right_logical3A_837 : i32
      %mul3A_839 = arith.constant 16 : i32
      %mul3A_840 = arith.muli %shift_right_logical3A_838, %mul3A_839 : i32
      %get3A_841 = arith.index_cast %mul3A_840 : i32 to index
      %get3A_842 = tpu.vector_load %arg5[%get3A_841] {strides = array<i32>} : memref<512xi32, #tpu.memory_space<vmem>>, vector<16xi32>,
      %and3A_843 = arith.constant 15 : i32
      %and3A_844 = arith.andi %add3A_830, %and3A_843 : i32
      %eq3A_845 = vector.broadcast %and3A_844 : i32 to vector<16xi32>
      %eq3A_846 = arith.cmpi eq, %iota3A, %eq3A_845 : vector<16xi32>
      %jit3A_847 = arith.constant 0 : i32
      %broadcast_in_dim3A_848 = vector.broadcast %jit3A_847 : i32 to vector<16xi32>
      %select_n3A_849 = arith.select %eq3A_846, %get3A_842, %broadcast_in_dim3A_848 : vector<16xi1>, vector<16xi32>
      %reduce_max3A_850 = arith.constant true
      %reduce_max3A_851 = vector.broadcast %reduce_max3A_850 : i1 to vector<16xi1>
      %reduce_max3A_852 = arith.constant -2147483648 : i32
      %reduce_max3A_853 = vector.broadcast %reduce_max3A_852 : i32 to vector<16xi32>
      %reduce_max3A_854 = arith.xori %select_n3A_849, %reduce_max3A_853 : vector<16xi32>
      %reduce_max3A_855 = tpu.scan <max>, %reduce_max3A_854 masked %reduce_max3A_851 : vector<16xi32>, vector<16xi1> -> vector<16xi32>
      %reduce_max3A_856 = arith.xori %reduce_max3A_855, %reduce_max3A_853 : vector<16xi32>
      %reduce_max3A_857 = vector.extract %reduce_max3A_856[15] : i32 from vector<16xi32>
      %and3A_858 = arith.constant 127 : i32
      %and3A_859 = arith.andi %reduce_max3A_857, %and3A_858 : i32
      %broadcast_in_dim3A_860 = arith.constant 0 : i32
      %broadcast_in_dim3A_861 = vector.broadcast %broadcast_in_dim3A_860 : i32 to vector<16xi32>
      %add3A_862 = vector.broadcast %and3A_859 : i32 to vector<16xi32>
      %add3A_863 = arith.addi %broadcast_in_dim3A_861, %add3A_862 : vector<16xi32>
      %broadcast_in_dim3A_864 = arith.constant 0 : i32
      %broadcast_in_dim3A_865 = vector.broadcast %broadcast_in_dim3A_864 : i32 to vector<16xi32>
      %add3A_866 = vector.broadcast %add3A_830 : i32 to vector<16xi32>
      %add3A_867 = arith.addi %broadcast_in_dim3A_865, %add3A_866 : vector<16xi32>
      %gather3A_868 = tpu.vector_load_idx %arg9[%iota3A, %add3A_863] : memref<32x128xf32, #tpu.memory_space<vmem>>[vector<16xi32>, vector<16xi32>], vector<16xf32>,
      %gather3A_869 = tpu.vector_load_idx %arg9[%add3A_5, %add3A_863] : memref<32x128xf32, #tpu.memory_space<vmem>>[vector<16xi32>, vector<16xi32>], vector<16xf32>,
      tpu.vector_store_idx %arg6[%iota3A, %add3A_867], %gather3A_868 : memref<32x512xf32, #tpu.memory_space<vmem>>[vector<16xi32>, vector<16xi32>], vector<16xf32>,
      tpu.vector_store_idx %arg6[%add3A_5, %add3A_867], %gather3A_869 : memref<32x512xf32, #tpu.memory_space<vmem>>[vector<16xi32>, vector<16xi32>], vector<16xf32>,
      %bitcast_convert_type3A_870 = tpu.bitcast %gather3A_868 : vector<16xf32> -> vector<16xi32>
      %reduce_min3A_871 = arith.constant true
      %reduce_min3A_872 = vector.broadcast %reduce_min3A_871 : i1 to vector<16xi1>
      %reduce_min3A_873 = arith.constant -2147483648 : i32
      %reduce_min3A_874 = vector.broadcast %reduce_min3A_873 : i32 to vector<16xi32>
      %reduce_min3A_875 = arith.xori %bitcast_convert_type3A_870, %reduce_min3A_874 : vector<16xi32>
      %reduce_min3A_876 = tpu.scan <min>, %reduce_min3A_875 masked %reduce_min3A_872 : vector<16xi32>, vector<16xi1> -> vector<16xi32>
      %reduce_min3A_877 = arith.xori %reduce_min3A_876, %reduce_min3A_874 : vector<16xi32>
      %reduce_min3A_878 = vector.extract %reduce_min3A_877[15] : i32 from vector<16xi32>
      %and3A_879 = arith.constant 0 : i32
      %and3A_880 = arith.andi %reduce_min3A_878, %and3A_879 : i32
      %add3A_881 = arith.constant 8 : i32
      %add3A_882 = arith.addi %add3A_830, %add3A_881 : i32
      %shift_right_logical3A_883 = arith.constant 4 : i32
      %shift_right_logical3A_884 = arith.shrui %add3A_882, %shift_right_logical3A_883 : i32
      %mul3A_885 = arith.constant 16 : i32
      %mul3A_886 = arith.muli %shift_right_logical3A_884, %mul3A_885 : i32
      %get3A_887 = arith.index_cast %mul3A_886 : i32 to index
      %get3A_888 = tpu.vector_load %arg5[%get3A_887] {strides = array<i32>} : memref<512xi32, #tpu.memory_space<vmem>>, vector<16xi32>,
      %and3A_889 = arith.constant 15 : i32
      %and3A_890 = arith.andi %add3A_882, %and3A_889 : i32
      %eq3A_891 = vector.broadcast %and3A_890 : i32 to vector<16xi32>
      %eq3A_892 = arith.cmpi eq, %iota3A, %eq3A_891 : vector<16xi32>
      %jit3A_893 = arith.constant 0 : i32
      %broadcast_in_dim3A_894 = vector.broadcast %jit3A_893 : i32 to vector<16xi32>
      %select_n3A_895 = arith.select %eq3A_892, %get3A_888, %broadcast_in_dim3A_894 : vector<16xi1>, vector<16xi32>
      %reduce_max3A_896 = arith.constant true
      %reduce_max3A_897 = vector.broadcast %reduce_max3A_896 : i1 to vector<16xi1>
      %reduce_max3A_898 = arith.constant -2147483648 : i32
      %reduce_max3A_899 = vector.broadcast %reduce_max3A_898 : i32 to vector<16xi32>
      %reduce_max3A_900 = arith.xori %select_n3A_895, %reduce_max3A_899 : vector<16xi32>
      %reduce_max3A_901 = tpu.scan <max>, %reduce_max3A_900 masked %reduce_max3A_897 : vector<16xi32>, vector<16xi1> -> vector<16xi32>
      %reduce_max3A_902 = arith.xori %reduce_max3A_901, %reduce_max3A_899 : vector<16xi32>
      %reduce_max3A_903 = vector.extract %reduce_max3A_902[15] : i32 from vector<16xi32>
      %shift_right_logical3A_904 = arith.constant 7 : i32
      %shift_right_logical3A_905 = arith.shrui %reduce_max3A_903, %shift_right_logical3A_904 : i32
      %add3A_906 = arith.addi %shift_right_logical3A_905, %and3A_880 : i32
      %mul3A_907 = arith.constant 128 : i32
      %mul3A_908 = arith.muli %add3A_906, %mul3A_907 : i32
      %dma_start3A_909 = arith.constant 0 : i32
      %dma_start3A_910 = tpu.memref_slice %arg3[%dma_start3A_909, %mul3A_908] : memref<32x1000000xf32, #tpu.memory_space<hbm>> -> memref<32x128xf32, #tpu.memory_space<hbm>>
      %dma_start3A_911 = arith.constant 0 : i32
      %dma_start3A_912 = tpu.memref_slice %arg3[%dma_start3A_911, %mul3A_908] : memref<32x1000000xf32, #tpu.memory_space<hbm>> -> memref<32x128xf32, #tpu.memory_space<hbm>>
      tpu.enqueue_dma source(%dma_start3A_912 : memref<32x128xf32, #tpu.memory_space<hbm>>) target(%arg9 : memref<32x128xf32, #tpu.memory_space<vmem>>) target_semaphore(%arg17 : memref<!tpu.dma_semaphore, #tpu.memory_space<semaphore_mem>>)
      %mul3A_913 = arith.constant 8 : i32
      %mul3A_914 = arith.muli %scan3A_654, %mul3A_913 : i32
      %add3A_915 = arith.constant 3 : i32
      %add3A_916 = arith.addi %mul3A_914, %add3A_915 : i32
      %dma_wait3A_917 = arith.constant 0 : i32
      %dma_wait3A_918 = arith.constant 0 : i32
      %dma_wait3A_919 = tpu.memref_slice %arg3[%dma_wait3A_917, %dma_wait3A_918] : memref<32x1000000xf32, #tpu.memory_space<hbm>> -> memref<32x128xf32, #tpu.memory_space<hbm>>
      %dma_wait3A_920 = arith.constant 0 : i32
      %dma_wait3A_921 = arith.constant 0 : i32
      %dma_wait3A_922 = tpu.memref_slice %arg3[%dma_wait3A_920, %dma_wait3A_921] : memref<32x1000000xf32, #tpu.memory_space<hbm>> -> memref<32x128xf32, #tpu.memory_space<hbm>>
      tpu.wait_dma2 semaphore(%arg18 : memref<!tpu.dma_semaphore, #tpu.memory_space<semaphore_mem>>) src(%dma_wait3A_922 : memref<32x128xf32, #tpu.memory_space<hbm>>) dst(%arg10 : memref<32x128xf32, #tpu.memory_space<vmem>>)
      %shift_right_logical3A_923 = arith.constant 4 : i32
      %shift_right_logical3A_924 = arith.shrui %add3A_916, %shift_right_logical3A_923 : i32
      %mul3A_925 = arith.constant 16 : i32
      %mul3A_926 = arith.muli %shift_right_logical3A_924, %mul3A_925 : i32
      %get3A_927 = arith.index_cast %mul3A_926 : i32 to index
      %get3A_928 = tpu.vector_load %arg5[%get3A_927] {strides = array<i32>} : memref<512xi32, #tpu.memory_space<vmem>>, vector<16xi32>,
      %and3A_929 = arith.constant 15 : i32
      %and3A_930 = arith.andi %add3A_916, %and3A_929 : i32
      %eq3A_931 = vector.broadcast %and3A_930 : i32 to vector<16xi32>
      %eq3A_932 = arith.cmpi eq, %iota3A, %eq3A_931 : vector<16xi32>
      %jit3A_933 = arith.constant 0 : i32
      %broadcast_in_dim3A_934 = vector.broadcast %jit3A_933 : i32 to vector<16xi32>
      %select_n3A_935 = arith.select %eq3A_932, %get3A_928, %broadcast_in_dim3A_934 : vector<16xi1>, vector<16xi32>
      %reduce_max3A_936 = arith.constant true
      %reduce_max3A_937 = vector.broadcast %reduce_max3A_936 : i1 to vector<16xi1>
      %reduce_max3A_938 = arith.constant -2147483648 : i32
      %reduce_max3A_939 = vector.broadcast %reduce_max3A_938 : i32 to vector<16xi32>
      %reduce_max3A_940 = arith.xori %select_n3A_935, %reduce_max3A_939 : vector<16xi32>
      %reduce_max3A_941 = tpu.scan <max>, %reduce_max3A_940 masked %reduce_max3A_937 : vector<16xi32>, vector<16xi1> -> vector<16xi32>
      %reduce_max3A_942 = arith.xori %reduce_max3A_941, %reduce_max3A_939 : vector<16xi32>
      %reduce_max3A_943 = vector.extract %reduce_max3A_942[15] : i32 from vector<16xi32>
      %and3A_944 = arith.constant 127 : i32
      %and3A_945 = arith.andi %reduce_max3A_943, %and3A_944 : i32
      %broadcast_in_dim3A_946 = arith.constant 0 : i32
      %broadcast_in_dim3A_947 = vector.broadcast %broadcast_in_dim3A_946 : i32 to vector<16xi32>
      %add3A_948 = vector.broadcast %and3A_945 : i32 to vector<16xi32>
      %add3A_949 = arith.addi %broadcast_in_dim3A_947, %add3A_948 : vector<16xi32>
      %broadcast_in_dim3A_950 = arith.constant 0 : i32
      %broadcast_in_dim3A_951 = vector.broadcast %broadcast_in_dim3A_950 : i32 to vector<16xi32>
      %add3A_952 = vector.broadcast %add3A_916 : i32 to vector<16xi32>
      %add3A_953 = arith.addi %broadcast_in_dim3A_951, %add3A_952 : vector<16xi32>
      %gather3A_954 = tpu.vector_load_idx %arg10[%iota3A, %add3A_949] : memref<32x128xf32, #tpu.memory_space<vmem>>[vector<16xi32>, vector<16xi32>], vector<16xf32>,
      %gather3A_955 = tpu.vector_load_idx %arg10[%add3A_5, %add3A_949] : memref<32x128xf32, #tpu.memory_space<vmem>>[vector<16xi32>, vector<16xi32>], vector<16xf32>,
      tpu.vector_store_idx %arg6[%iota3A, %add3A_953], %gather3A_954 : memref<32x512xf32, #tpu.memory_space<vmem>>[vector<16xi32>, vector<16xi32>], vector<16xf32>,
      tpu.vector_store_idx %arg6[%add3A_5, %add3A_953], %gather3A_955 : memref<32x512xf32, #tpu.memory_space<vmem>>[vector<16xi32>, vector<16xi32>], vector<16xf32>,
      %bitcast_convert_type3A_956 = tpu.bitcast %gather3A_954 : vector<16xf32> -> vector<16xi32>
      %reduce_min3A_957 = arith.constant true
      %reduce_min3A_958 = vector.broadcast %reduce_min3A_957 : i1 to vector<16xi1>
      %reduce_min3A_959 = arith.constant -2147483648 : i32
      %reduce_min3A_960 = vector.broadcast %reduce_min3A_959 : i32 to vector<16xi32>
      %reduce_min3A_961 = arith.xori %bitcast_convert_type3A_956, %reduce_min3A_960 : vector<16xi32>
      %reduce_min3A_962 = tpu.scan <min>, %reduce_min3A_961 masked %reduce_min3A_958 : vector<16xi32>, vector<16xi1> -> vector<16xi32>
      %reduce_min3A_963 = arith.xori %reduce_min3A_962, %reduce_min3A_960 : vector<16xi32>
      %reduce_min3A_964 = vector.extract %reduce_min3A_963[15] : i32 from vector<16xi32>
      %and3A_965 = arith.constant 0 : i32
      %and3A_966 = arith.andi %reduce_min3A_964, %and3A_965 : i32
      %add3A_967 = arith.constant 8 : i32
      %add3A_968 = arith.addi %add3A_916, %add3A_967 : i32
      %shift_right_logical3A_969 = arith.constant 4 : i32
      %shift_right_logical3A_970 = arith.shrui %add3A_968, %shift_right_logical3A_969 : i32
      %mul3A_971 = arith.constant 16 : i32
      %mul3A_972 = arith.muli %shift_right_logical3A_970, %mul3A_971 : i32
      %get3A_973 = arith.index_cast %mul3A_972 : i32 to index
      %get3A_974 = tpu.vector_load %arg5[%get3A_973] {strides = array<i32>} : memref<512xi32, #tpu.memory_space<vmem>>, vector<16xi32>,
      %and3A_975 = arith.constant 15 : i32
      %and3A_976 = arith.andi %add3A_968, %and3A_975 : i32
      %eq3A_977 = vector.broadcast %and3A_976 : i32 to vector<16xi32>
      %eq3A_978 = arith.cmpi eq, %iota3A, %eq3A_977 : vector<16xi32>
      %jit3A_979 = arith.constant 0 : i32
      %broadcast_in_dim3A_980 = vector.broadcast %jit3A_979 : i32 to vector<16xi32>
      %select_n3A_981 = arith.select %eq3A_978, %get3A_974, %broadcast_in_dim3A_980 : vector<16xi1>, vector<16xi32>
      %reduce_max3A_982 = arith.constant true
      %reduce_max3A_983 = vector.broadcast %reduce_max3A_982 : i1 to vector<16xi1>
      %reduce_max3A_984 = arith.constant -2147483648 : i32
      %reduce_max3A_985 = vector.broadcast %reduce_max3A_984 : i32 to vector<16xi32>
      %reduce_max3A_986 = arith.xori %select_n3A_981, %reduce_max3A_985 : vector<16xi32>
      %reduce_max3A_987 = tpu.scan <max>, %reduce_max3A_986 masked %reduce_max3A_983 : vector<16xi32>, vector<16xi1> -> vector<16xi32>
      %reduce_max3A_988 = arith.xori %reduce_max3A_987, %reduce_max3A_985 : vector<16xi32>
      %reduce_max3A_989 = vector.extract %reduce_max3A_988[15] : i32 from vector<16xi32>
      %shift_right_logical3A_990 = arith.constant 7 : i32
      %shift_right_logical3A_991 = arith.shrui %reduce_max3A_989, %shift_right_logical3A_990 : i32
      %add3A_992 = arith.addi %shift_right_logical3A_991, %and3A_966 : i32
      %mul3A_993 = arith.constant 128 : i32
      %mul3A_994 = arith.muli %add3A_992, %mul3A_993 : i32
      %dma_start3A_995 = arith.constant 0 : i32
      %dma_start3A_996 = tpu.memref_slice %arg3[%dma_start3A_995, %mul3A_994] : memref<32x1000000xf32, #tpu.memory_space<hbm>> -> memref<32x128xf32, #tpu.memory_space<hbm>>
      %dma_start3A_997 = arith.constant 0 : i32
      %dma_start3A_998 = tpu.memref_slice %arg3[%dma_start3A_997, %mul3A_994] : memref<32x1000000xf32, #tpu.memory_space<hbm>> -> memref<32x128xf32, #tpu.memory_space<hbm>>
      tpu.enqueue_dma source(%dma_start3A_998 : memref<32x128xf32, #tpu.memory_space<hbm>>) target(%arg10 : memref<32x128xf32, #tpu.memory_space<vmem>>) target_semaphore(%arg18 : memref<!tpu.dma_semaphore, #tpu.memory_space<semaphore_mem>>)
      %mul3A_999 = arith.constant 8 : i32
      %mul3A_1000 = arith.muli %scan3A_654, %mul3A_999 : i32
      %add3A_1001 = arith.constant 4 : i32
      %add3A_1002 = arith.addi %mul3A_1000, %add3A_1001 : i32
      %dma_wait3A_1003 = arith.constant 0 : i32
      %dma_wait3A_1004 = arith.constant 0 : i32
      %dma_wait3A_1005 = tpu.memref_slice %arg3[%dma_wait3A_1003, %dma_wait3A_1004] : memref<32x1000000xf32, #tpu.memory_space<hbm>> -> memref<32x128xf32, #tpu.memory_space<hbm>>
      %dma_wait3A_1006 = arith.constant 0 : i32
      %dma_wait3A_1007 = arith.constant 0 : i32
      %dma_wait3A_1008 = tpu.memref_slice %arg3[%dma_wait3A_1006, %dma_wait3A_1007] : memref<32x1000000xf32, #tpu.memory_space<hbm>> -> memref<32x128xf32, #tpu.memory_space<hbm>>
      tpu.wait_dma2 semaphore(%arg19 : memref<!tpu.dma_semaphore, #tpu.memory_space<semaphore_mem>>) src(%dma_wait3A_1008 : memref<32x128xf32, #tpu.memory_space<hbm>>) dst(%arg11 : memref<32x128xf32, #tpu.memory_space<vmem>>)
      %shift_right_logical3A_1009 = arith.constant 4 : i32
      %shift_right_logical3A_1010 = arith.shrui %add3A_1002, %shift_right_logical3A_1009 : i32
      %mul3A_1011 = arith.constant 16 : i32
      %mul3A_1012 = arith.muli %shift_right_logical3A_1010, %mul3A_1011 : i32
      %get3A_1013 = arith.index_cast %mul3A_1012 : i32 to index
      %get3A_1014 = tpu.vector_load %arg5[%get3A_1013] {strides = array<i32>} : memref<512xi32, #tpu.memory_space<vmem>>, vector<16xi32>,
      %and3A_1015 = arith.constant 15 : i32
      %and3A_1016 = arith.andi %add3A_1002, %and3A_1015 : i32
      %eq3A_1017 = vector.broadcast %and3A_1016 : i32 to vector<16xi32>
      %eq3A_1018 = arith.cmpi eq, %iota3A, %eq3A_1017 : vector<16xi32>
      %jit3A_1019 = arith.constant 0 : i32
      %broadcast_in_dim3A_1020 = vector.broadcast %jit3A_1019 : i32 to vector<16xi32>
      %select_n3A_1021 = arith.select %eq3A_1018, %get3A_1014, %broadcast_in_dim3A_1020 : vector<16xi1>, vector<16xi32>
      %reduce_max3A_1022 = arith.constant true
      %reduce_max3A_1023 = vector.broadcast %reduce_max3A_1022 : i1 to vector<16xi1>
      %reduce_max3A_1024 = arith.constant -2147483648 : i32
      %reduce_max3A_1025 = vector.broadcast %reduce_max3A_1024 : i32 to vector<16xi32>
      %reduce_max3A_1026 = arith.xori %select_n3A_1021, %reduce_max3A_1025 : vector<16xi32>
      %reduce_max3A_1027 = tpu.scan <max>, %reduce_max3A_1026 masked %reduce_max3A_1023 : vector<16xi32>, vector<16xi1> -> vector<16xi32>
      %reduce_max3A_1028 = arith.xori %reduce_max3A_1027, %reduce_max3A_1025 : vector<16xi32>
      %reduce_max3A_1029 = vector.extract %reduce_max3A_1028[15] : i32 from vector<16xi32>
      %and3A_1030 = arith.constant 127 : i32
      %and3A_1031 = arith.andi %reduce_max3A_1029, %and3A_1030 : i32
      %broadcast_in_dim3A_1032 = arith.constant 0 : i32
      %broadcast_in_dim3A_1033 = vector.broadcast %broadcast_in_dim3A_1032 : i32 to vector<16xi32>
      %add3A_1034 = vector.broadcast %and3A_1031 : i32 to vector<16xi32>
      %add3A_1035 = arith.addi %broadcast_in_dim3A_1033, %add3A_1034 : vector<16xi32>
      %broadcast_in_dim3A_1036 = arith.constant 0 : i32
      %broadcast_in_dim3A_1037 = vector.broadcast %broadcast_in_dim3A_1036 : i32 to vector<16xi32>
      %add3A_1038 = vector.broadcast %add3A_1002 : i32 to vector<16xi32>
      %add3A_1039 = arith.addi %broadcast_in_dim3A_1037, %add3A_1038 : vector<16xi32>
      %gather3A_1040 = tpu.vector_load_idx %arg11[%iota3A, %add3A_1035] : memref<32x128xf32, #tpu.memory_space<vmem>>[vector<16xi32>, vector<16xi32>], vector<16xf32>,
      %gather3A_1041 = tpu.vector_load_idx %arg11[%add3A_5, %add3A_1035] : memref<32x128xf32, #tpu.memory_space<vmem>>[vector<16xi32>, vector<16xi32>], vector<16xf32>,
      tpu.vector_store_idx %arg6[%iota3A, %add3A_1039], %gather3A_1040 : memref<32x512xf32, #tpu.memory_space<vmem>>[vector<16xi32>, vector<16xi32>], vector<16xf32>,
      tpu.vector_store_idx %arg6[%add3A_5, %add3A_1039], %gather3A_1041 : memref<32x512xf32, #tpu.memory_space<vmem>>[vector<16xi32>, vector<16xi32>], vector<16xf32>,
      %bitcast_convert_type3A_1042 = tpu.bitcast %gather3A_1040 : vector<16xf32> -> vector<16xi32>
      %reduce_min3A_1043 = arith.constant true
      %reduce_min3A_1044 = vector.broadcast %reduce_min3A_1043 : i1 to vector<16xi1>
      %reduce_min3A_1045 = arith.constant -2147483648 : i32
      %reduce_min3A_1046 = vector.broadcast %reduce_min3A_1045 : i32 to vector<16xi32>
      %reduce_min3A_1047 = arith.xori %bitcast_convert_type3A_1042, %reduce_min3A_1046 : vector<16xi32>
      %reduce_min3A_1048 = tpu.scan <min>, %reduce_min3A_1047 masked %reduce_min3A_1044 : vector<16xi32>, vector<16xi1> -> vector<16xi32>
      %reduce_min3A_1049 = arith.xori %reduce_min3A_1048, %reduce_min3A_1046 : vector<16xi32>
      %reduce_min3A_1050 = vector.extract %reduce_min3A_1049[15] : i32 from vector<16xi32>
      %and3A_1051 = arith.constant 0 : i32
      %and3A_1052 = arith.andi %reduce_min3A_1050, %and3A_1051 : i32
      %add3A_1053 = arith.constant 8 : i32
      %add3A_1054 = arith.addi %add3A_1002, %add3A_1053 : i32
      %shift_right_logical3A_1055 = arith.constant 4 : i32
      %shift_right_logical3A_1056 = arith.shrui %add3A_1054, %shift_right_logical3A_1055 : i32
      %mul3A_1057 = arith.constant 16 : i32
      %mul3A_1058 = arith.muli %shift_right_logical3A_1056, %mul3A_1057 : i32
      %get3A_1059 = arith.index_cast %mul3A_1058 : i32 to index
      %get3A_1060 = tpu.vector_load %arg5[%get3A_1059] {strides = array<i32>} : memref<512xi32, #tpu.memory_space<vmem>>, vector<16xi32>,
      %and3A_1061 = arith.constant 15 : i32
      %and3A_1062 = arith.andi %add3A_1054, %and3A_1061 : i32
      %eq3A_1063 = vector.broadcast %and3A_1062 : i32 to vector<16xi32>
      %eq3A_1064 = arith.cmpi eq, %iota3A, %eq3A_1063 : vector<16xi32>
      %jit3A_1065 = arith.constant 0 : i32
      %broadcast_in_dim3A_1066 = vector.broadcast %jit3A_1065 : i32 to vector<16xi32>
      %select_n3A_1067 = arith.select %eq3A_1064, %get3A_1060, %broadcast_in_dim3A_1066 : vector<16xi1>, vector<16xi32>
      %reduce_max3A_1068 = arith.constant true
      %reduce_max3A_1069 = vector.broadcast %reduce_max3A_1068 : i1 to vector<16xi1>
      %reduce_max3A_1070 = arith.constant -2147483648 : i32
      %reduce_max3A_1071 = vector.broadcast %reduce_max3A_1070 : i32 to vector<16xi32>
      %reduce_max3A_1072 = arith.xori %select_n3A_1067, %reduce_max3A_1071 : vector<16xi32>
      %reduce_max3A_1073 = tpu.scan <max>, %reduce_max3A_1072 masked %reduce_max3A_1069 : vector<16xi32>, vector<16xi1> -> vector<16xi32>
      %reduce_max3A_1074 = arith.xori %reduce_max3A_1073, %reduce_max3A_1071 : vector<16xi32>
      %reduce_max3A_1075 = vector.extract %reduce_max3A_1074[15] : i32 from vector<16xi32>
      %shift_right_logical3A_1076 = arith.constant 7 : i32
      %shift_right_logical3A_1077 = arith.shrui %reduce_max3A_1075, %shift_right_logical3A_1076 : i32
      %add3A_1078 = arith.addi %shift_right_logical3A_1077, %and3A_1052 : i32
      %mul3A_1079 = arith.constant 128 : i32
      %mul3A_1080 = arith.muli %add3A_1078, %mul3A_1079 : i32
      %dma_start3A_1081 = arith.constant 0 : i32
      %dma_start3A_1082 = tpu.memref_slice %arg3[%dma_start3A_1081, %mul3A_1080] : memref<32x1000000xf32, #tpu.memory_space<hbm>> -> memref<32x128xf32, #tpu.memory_space<hbm>>
      %dma_start3A_1083 = arith.constant 0 : i32
      %dma_start3A_1084 = tpu.memref_slice %arg3[%dma_start3A_1083, %mul3A_1080] : memref<32x1000000xf32, #tpu.memory_space<hbm>> -> memref<32x128xf32, #tpu.memory_space<hbm>>
      tpu.enqueue_dma source(%dma_start3A_1084 : memref<32x128xf32, #tpu.memory_space<hbm>>) target(%arg11 : memref<32x128xf32, #tpu.memory_space<vmem>>) target_semaphore(%arg19 : memref<!tpu.dma_semaphore, #tpu.memory_space<semaphore_mem>>)
      %mul3A_1085 = arith.constant 8 : i32
      %mul3A_1086 = arith.muli %scan3A_654, %mul3A_1085 : i32
      %add3A_1087 = arith.constant 5 : i32
      %add3A_1088 = arith.addi %mul3A_1086, %add3A_1087 : i32
      %dma_wait3A_1089 = arith.constant 0 : i32
      %dma_wait3A_1090 = arith.constant 0 : i32
      %dma_wait3A_1091 = tpu.memref_slice %arg3[%dma_wait3A_1089, %dma_wait3A_1090] : memref<32x1000000xf32, #tpu.memory_space<hbm>> -> memref<32x128xf32, #tpu.memory_space<hbm>>
      %dma_wait3A_1092 = arith.constant 0 : i32
      %dma_wait3A_1093 = arith.constant 0 : i32
      %dma_wait3A_1094 = tpu.memref_slice %arg3[%dma_wait3A_1092, %dma_wait3A_1093] : memref<32x1000000xf32, #tpu.memory_space<hbm>> -> memref<32x128xf32, #tpu.memory_space<hbm>>
      tpu.wait_dma2 semaphore(%arg20 : memref<!tpu.dma_semaphore, #tpu.memory_space<semaphore_mem>>) src(%dma_wait3A_1094 : memref<32x128xf32, #tpu.memory_space<hbm>>) dst(%arg12 : memref<32x128xf32, #tpu.memory_space<vmem>>)
      %shift_right_logical3A_1095 = arith.constant 4 : i32
      %shift_right_logical3A_1096 = arith.shrui %add3A_1088, %shift_right_logical3A_1095 : i32
      %mul3A_1097 = arith.constant 16 : i32
      %mul3A_1098 = arith.muli %shift_right_logical3A_1096, %mul3A_1097 : i32
      %get3A_1099 = arith.index_cast %mul3A_1098 : i32 to index
      %get3A_1100 = tpu.vector_load %arg5[%get3A_1099] {strides = array<i32>} : memref<512xi32, #tpu.memory_space<vmem>>, vector<16xi32>,
      %and3A_1101 = arith.constant 15 : i32
      %and3A_1102 = arith.andi %add3A_1088, %and3A_1101 : i32
      %eq3A_1103 = vector.broadcast %and3A_1102 : i32 to vector<16xi32>
      %eq3A_1104 = arith.cmpi eq, %iota3A, %eq3A_1103 : vector<16xi32>
      %jit3A_1105 = arith.constant 0 : i32
      %broadcast_in_dim3A_1106 = vector.broadcast %jit3A_1105 : i32 to vector<16xi32>
      %select_n3A_1107 = arith.select %eq3A_1104, %get3A_1100, %broadcast_in_dim3A_1106 : vector<16xi1>, vector<16xi32>
      %reduce_max3A_1108 = arith.constant true
      %reduce_max3A_1109 = vector.broadcast %reduce_max3A_1108 : i1 to vector<16xi1>
      %reduce_max3A_1110 = arith.constant -2147483648 : i32
      %reduce_max3A_1111 = vector.broadcast %reduce_max3A_1110 : i32 to vector<16xi32>
      %reduce_max3A_1112 = arith.xori %select_n3A_1107, %reduce_max3A_1111 : vector<16xi32>
      %reduce_max3A_1113 = tpu.scan <max>, %reduce_max3A_1112 masked %reduce_max3A_1109 : vector<16xi32>, vector<16xi1> -> vector<16xi32>
      %reduce_max3A_1114 = arith.xori %reduce_max3A_1113, %reduce_max3A_1111 : vector<16xi32>
      %reduce_max3A_1115 = vector.extract %reduce_max3A_1114[15] : i32 from vector<16xi32>
      %and3A_1116 = arith.constant 127 : i32
      %and3A_1117 = arith.andi %reduce_max3A_1115, %and3A_1116 : i32
      %broadcast_in_dim3A_1118 = arith.constant 0 : i32
      %broadcast_in_dim3A_1119 = vector.broadcast %broadcast_in_dim3A_1118 : i32 to vector<16xi32>
      %add3A_1120 = vector.broadcast %and3A_1117 : i32 to vector<16xi32>
      %add3A_1121 = arith.addi %broadcast_in_dim3A_1119, %add3A_1120 : vector<16xi32>
      %broadcast_in_dim3A_1122 = arith.constant 0 : i32
      %broadcast_in_dim3A_1123 = vector.broadcast %broadcast_in_dim3A_1122 : i32 to vector<16xi32>
      %add3A_1124 = vector.broadcast %add3A_1088 : i32 to vector<16xi32>
      %add3A_1125 = arith.addi %broadcast_in_dim3A_1123, %add3A_1124 : vector<16xi32>
      %gather3A_1126 = tpu.vector_load_idx %arg12[%iota3A, %add3A_1121] : memref<32x128xf32, #tpu.memory_space<vmem>>[vector<16xi32>, vector<16xi32>], vector<16xf32>,
      %gather3A_1127 = tpu.vector_load_idx %arg12[%add3A_5, %add3A_1121] : memref<32x128xf32, #tpu.memory_space<vmem>>[vector<16xi32>, vector<16xi32>], vector<16xf32>,
      tpu.vector_store_idx %arg6[%iota3A, %add3A_1125], %gather3A_1126 : memref<32x512xf32, #tpu.memory_space<vmem>>[vector<16xi32>, vector<16xi32>], vector<16xf32>,
      tpu.vector_store_idx %arg6[%add3A_5, %add3A_1125], %gather3A_1127 : memref<32x512xf32, #tpu.memory_space<vmem>>[vector<16xi32>, vector<16xi32>], vector<16xf32>,
      %bitcast_convert_type3A_1128 = tpu.bitcast %gather3A_1126 : vector<16xf32> -> vector<16xi32>
      %reduce_min3A_1129 = arith.constant true
      %reduce_min3A_1130 = vector.broadcast %reduce_min3A_1129 : i1 to vector<16xi1>
      %reduce_min3A_1131 = arith.constant -2147483648 : i32
      %reduce_min3A_1132 = vector.broadcast %reduce_min3A_1131 : i32 to vector<16xi32>
      %reduce_min3A_1133 = arith.xori %bitcast_convert_type3A_1128, %reduce_min3A_1132 : vector<16xi32>
      %reduce_min3A_1134 = tpu.scan <min>, %reduce_min3A_1133 masked %reduce_min3A_1130 : vector<16xi32>, vector<16xi1> -> vector<16xi32>
      %reduce_min3A_1135 = arith.xori %reduce_min3A_1134, %reduce_min3A_1132 : vector<16xi32>
      %reduce_min3A_1136 = vector.extract %reduce_min3A_1135[15] : i32 from vector<16xi32>
      %and3A_1137 = arith.constant 0 : i32
      %and3A_1138 = arith.andi %reduce_min3A_1136, %and3A_1137 : i32
      %add3A_1139 = arith.constant 8 : i32
      %add3A_1140 = arith.addi %add3A_1088, %add3A_1139 : i32
      %shift_right_logical3A_1141 = arith.constant 4 : i32
      %shift_right_logical3A_1142 = arith.shrui %add3A_1140, %shift_right_logical3A_1141 : i32
      %mul3A_1143 = arith.constant 16 : i32
      %mul3A_1144 = arith.muli %shift_right_logical3A_1142, %mul3A_1143 : i32
      %get3A_1145 = arith.index_cast %mul3A_1144 : i32 to index
      %get3A_1146 = tpu.vector_load %arg5[%get3A_1145] {strides = array<i32>} : memref<512xi32, #tpu.memory_space<vmem>>, vector<16xi32>,
      %and3A_1147 = arith.constant 15 : i32
      %and3A_1148 = arith.andi %add3A_1140, %and3A_1147 : i32
      %eq3A_1149 = vector.broadcast %and3A_1148 : i32 to vector<16xi32>
      %eq3A_1150 = arith.cmpi eq, %iota3A, %eq3A_1149 : vector<16xi32>
      %jit3A_1151 = arith.constant 0 : i32
      %broadcast_in_dim3A_1152 = vector.broadcast %jit3A_1151 : i32 to vector<16xi32>
      %select_n3A_1153 = arith.select %eq3A_1150, %get3A_1146, %broadcast_in_dim3A_1152 : vector<16xi1>, vector<16xi32>
      %reduce_max3A_1154 = arith.constant true
      %reduce_max3A_1155 = vector.broadcast %reduce_max3A_1154 : i1 to vector<16xi1>
      %reduce_max3A_1156 = arith.constant -2147483648 : i32
      %reduce_max3A_1157 = vector.broadcast %reduce_max3A_1156 : i32 to vector<16xi32>
      %reduce_max3A_1158 = arith.xori %select_n3A_1153, %reduce_max3A_1157 : vector<16xi32>
      %reduce_max3A_1159 = tpu.scan <max>, %reduce_max3A_1158 masked %reduce_max3A_1155 : vector<16xi32>, vector<16xi1> -> vector<16xi32>
      %reduce_max3A_1160 = arith.xori %reduce_max3A_1159, %reduce_max3A_1157 : vector<16xi32>
      %reduce_max3A_1161 = vector.extract %reduce_max3A_1160[15] : i32 from vector<16xi32>
      %shift_right_logical3A_1162 = arith.constant 7 : i32
      %shift_right_logical3A_1163 = arith.shrui %reduce_max3A_1161, %shift_right_logical3A_1162 : i32
      %add3A_1164 = arith.addi %shift_right_logical3A_1163, %and3A_1138 : i32
      %mul3A_1165 = arith.constant 128 : i32
      %mul3A_1166 = arith.muli %add3A_1164, %mul3A_1165 : i32
      %dma_start3A_1167 = arith.constant 0 : i32
      %dma_start3A_1168 = tpu.memref_slice %arg3[%dma_start3A_1167, %mul3A_1166] : memref<32x1000000xf32, #tpu.memory_space<hbm>> -> memref<32x128xf32, #tpu.memory_space<hbm>>
      %dma_start3A_1169 = arith.constant 0 : i32
      %dma_start3A_1170 = tpu.memref_slice %arg3[%dma_start3A_1169, %mul3A_1166] : memref<32x1000000xf32, #tpu.memory_space<hbm>> -> memref<32x128xf32, #tpu.memory_space<hbm>>
      tpu.enqueue_dma source(%dma_start3A_1170 : memref<32x128xf32, #tpu.memory_space<hbm>>) target(%arg12 : memref<32x128xf32, #tpu.memory_space<vmem>>) target_semaphore(%arg20 : memref<!tpu.dma_semaphore, #tpu.memory_space<semaphore_mem>>)
      %mul3A_1171 = arith.constant 8 : i32
      %mul3A_1172 = arith.muli %scan3A_654, %mul3A_1171 : i32
      %add3A_1173 = arith.constant 6 : i32
      %add3A_1174 = arith.addi %mul3A_1172, %add3A_1173 : i32
      %dma_wait3A_1175 = arith.constant 0 : i32
      %dma_wait3A_1176 = arith.constant 0 : i32
      %dma_wait3A_1177 = tpu.memref_slice %arg3[%dma_wait3A_1175, %dma_wait3A_1176] : memref<32x1000000xf32, #tpu.memory_space<hbm>> -> memref<32x128xf32, #tpu.memory_space<hbm>>
      %dma_wait3A_1178 = arith.constant 0 : i32
      %dma_wait3A_1179 = arith.constant 0 : i32
      %dma_wait3A_1180 = tpu.memref_slice %arg3[%dma_wait3A_1178, %dma_wait3A_1179] : memref<32x1000000xf32, #tpu.memory_space<hbm>> -> memref<32x128xf32, #tpu.memory_space<hbm>>
      tpu.wait_dma2 semaphore(%arg21 : memref<!tpu.dma_semaphore, #tpu.memory_space<semaphore_mem>>) src(%dma_wait3A_1180 : memref<32x128xf32, #tpu.memory_space<hbm>>) dst(%arg13 : memref<32x128xf32, #tpu.memory_space<vmem>>)
      %shift_right_logical3A_1181 = arith.constant 4 : i32
      %shift_right_logical3A_1182 = arith.shrui %add3A_1174, %shift_right_logical3A_1181 : i32
      %mul3A_1183 = arith.constant 16 : i32
      %mul3A_1184 = arith.muli %shift_right_logical3A_1182, %mul3A_1183 : i32
      %get3A_1185 = arith.index_cast %mul3A_1184 : i32 to index
      %get3A_1186 = tpu.vector_load %arg5[%get3A_1185] {strides = array<i32>} : memref<512xi32, #tpu.memory_space<vmem>>, vector<16xi32>,
      %and3A_1187 = arith.constant 15 : i32
      %and3A_1188 = arith.andi %add3A_1174, %and3A_1187 : i32
      %eq3A_1189 = vector.broadcast %and3A_1188 : i32 to vector<16xi32>
      %eq3A_1190 = arith.cmpi eq, %iota3A, %eq3A_1189 : vector<16xi32>
      %jit3A_1191 = arith.constant 0 : i32
      %broadcast_in_dim3A_1192 = vector.broadcast %jit3A_1191 : i32 to vector<16xi32>
      %select_n3A_1193 = arith.select %eq3A_1190, %get3A_1186, %broadcast_in_dim3A_1192 : vector<16xi1>, vector<16xi32>
      %reduce_max3A_1194 = arith.constant true
      %reduce_max3A_1195 = vector.broadcast %reduce_max3A_1194 : i1 to vector<16xi1>
      %reduce_max3A_1196 = arith.constant -2147483648 : i32
      %reduce_max3A_1197 = vector.broadcast %reduce_max3A_1196 : i32 to vector<16xi32>
      %reduce_max3A_1198 = arith.xori %select_n3A_1193, %reduce_max3A_1197 : vector<16xi32>
      %reduce_max3A_1199 = tpu.scan <max>, %reduce_max3A_1198 masked %reduce_max3A_1195 : vector<16xi32>, vector<16xi1> -> vector<16xi32>
      %reduce_max3A_1200 = arith.xori %reduce_max3A_1199, %reduce_max3A_1197 : vector<16xi32>
      %reduce_max3A_1201 = vector.extract %reduce_max3A_1200[15] : i32 from vector<16xi32>
      %and3A_1202 = arith.constant 127 : i32
      %and3A_1203 = arith.andi %reduce_max3A_1201, %and3A_1202 : i32
      %broadcast_in_dim3A_1204 = arith.constant 0 : i32
      %broadcast_in_dim3A_1205 = vector.broadcast %broadcast_in_dim3A_1204 : i32 to vector<16xi32>
      %add3A_1206 = vector.broadcast %and3A_1203 : i32 to vector<16xi32>
      %add3A_1207 = arith.addi %broadcast_in_dim3A_1205, %add3A_1206 : vector<16xi32>
      %broadcast_in_dim3A_1208 = arith.constant 0 : i32
      %broadcast_in_dim3A_1209 = vector.broadcast %broadcast_in_dim3A_1208 : i32 to vector<16xi32>
      %add3A_1210 = vector.broadcast %add3A_1174 : i32 to vector<16xi32>
      %add3A_1211 = arith.addi %broadcast_in_dim3A_1209, %add3A_1210 : vector<16xi32>
      %gather3A_1212 = tpu.vector_load_idx %arg13[%iota3A, %add3A_1207] : memref<32x128xf32, #tpu.memory_space<vmem>>[vector<16xi32>, vector<16xi32>], vector<16xf32>,
      %gather3A_1213 = tpu.vector_load_idx %arg13[%add3A_5, %add3A_1207] : memref<32x128xf32, #tpu.memory_space<vmem>>[vector<16xi32>, vector<16xi32>], vector<16xf32>,
      tpu.vector_store_idx %arg6[%iota3A, %add3A_1211], %gather3A_1212 : memref<32x512xf32, #tpu.memory_space<vmem>>[vector<16xi32>, vector<16xi32>], vector<16xf32>,
      tpu.vector_store_idx %arg6[%add3A_5, %add3A_1211], %gather3A_1213 : memref<32x512xf32, #tpu.memory_space<vmem>>[vector<16xi32>, vector<16xi32>], vector<16xf32>,
      %bitcast_convert_type3A_1214 = tpu.bitcast %gather3A_1212 : vector<16xf32> -> vector<16xi32>
      %reduce_min3A_1215 = arith.constant true
      %reduce_min3A_1216 = vector.broadcast %reduce_min3A_1215 : i1 to vector<16xi1>
      %reduce_min3A_1217 = arith.constant -2147483648 : i32
      %reduce_min3A_1218 = vector.broadcast %reduce_min3A_1217 : i32 to vector<16xi32>
      %reduce_min3A_1219 = arith.xori %bitcast_convert_type3A_1214, %reduce_min3A_1218 : vector<16xi32>
      %reduce_min3A_1220 = tpu.scan <min>, %reduce_min3A_1219 masked %reduce_min3A_1216 : vector<16xi32>, vector<16xi1> -> vector<16xi32>
      %reduce_min3A_1221 = arith.xori %reduce_min3A_1220, %reduce_min3A_1218 : vector<16xi32>
      %reduce_min3A_1222 = vector.extract %reduce_min3A_1221[15] : i32 from vector<16xi32>
      %and3A_1223 = arith.constant 0 : i32
      %and3A_1224 = arith.andi %reduce_min3A_1222, %and3A_1223 : i32
      %add3A_1225 = arith.constant 8 : i32
      %add3A_1226 = arith.addi %add3A_1174, %add3A_1225 : i32
      %shift_right_logical3A_1227 = arith.constant 4 : i32
      %shift_right_logical3A_1228 = arith.shrui %add3A_1226, %shift_right_logical3A_1227 : i32
      %mul3A_1229 = arith.constant 16 : i32
      %mul3A_1230 = arith.muli %shift_right_logical3A_1228, %mul3A_1229 : i32
      %get3A_1231 = arith.index_cast %mul3A_1230 : i32 to index
      %get3A_1232 = tpu.vector_load %arg5[%get3A_1231] {strides = array<i32>} : memref<512xi32, #tpu.memory_space<vmem>>, vector<16xi32>,
      %and3A_1233 = arith.constant 15 : i32
      %and3A_1234 = arith.andi %add3A_1226, %and3A_1233 : i32
      %eq3A_1235 = vector.broadcast %and3A_1234 : i32 to vector<16xi32>
      %eq3A_1236 = arith.cmpi eq, %iota3A, %eq3A_1235 : vector<16xi32>
      %jit3A_1237 = arith.constant 0 : i32
      %broadcast_in_dim3A_1238 = vector.broadcast %jit3A_1237 : i32 to vector<16xi32>
      %select_n3A_1239 = arith.select %eq3A_1236, %get3A_1232, %broadcast_in_dim3A_1238 : vector<16xi1>, vector<16xi32>
      %reduce_max3A_1240 = arith.constant true
      %reduce_max3A_1241 = vector.broadcast %reduce_max3A_1240 : i1 to vector<16xi1>
      %reduce_max3A_1242 = arith.constant -2147483648 : i32
      %reduce_max3A_1243 = vector.broadcast %reduce_max3A_1242 : i32 to vector<16xi32>
      %reduce_max3A_1244 = arith.xori %select_n3A_1239, %reduce_max3A_1243 : vector<16xi32>
      %reduce_max3A_1245 = tpu.scan <max>, %reduce_max3A_1244 masked %reduce_max3A_1241 : vector<16xi32>, vector<16xi1> -> vector<16xi32>
      %reduce_max3A_1246 = arith.xori %reduce_max3A_1245, %reduce_max3A_1243 : vector<16xi32>
      %reduce_max3A_1247 = vector.extract %reduce_max3A_1246[15] : i32 from vector<16xi32>
      %shift_right_logical3A_1248 = arith.constant 7 : i32
      %shift_right_logical3A_1249 = arith.shrui %reduce_max3A_1247, %shift_right_logical3A_1248 : i32
      %add3A_1250 = arith.addi %shift_right_logical3A_1249, %and3A_1224 : i32
      %mul3A_1251 = arith.constant 128 : i32
      %mul3A_1252 = arith.muli %add3A_1250, %mul3A_1251 : i32
      %dma_start3A_1253 = arith.constant 0 : i32
      %dma_start3A_1254 = tpu.memref_slice %arg3[%dma_start3A_1253, %mul3A_1252] : memref<32x1000000xf32, #tpu.memory_space<hbm>> -> memref<32x128xf32, #tpu.memory_space<hbm>>
      %dma_start3A_1255 = arith.constant 0 : i32
      %dma_start3A_1256 = tpu.memref_slice %arg3[%dma_start3A_1255, %mul3A_1252] : memref<32x1000000xf32, #tpu.memory_space<hbm>> -> memref<32x128xf32, #tpu.memory_space<hbm>>
      tpu.enqueue_dma source(%dma_start3A_1256 : memref<32x128xf32, #tpu.memory_space<hbm>>) target(%arg13 : memref<32x128xf32, #tpu.memory_space<vmem>>) target_semaphore(%arg21 : memref<!tpu.dma_semaphore, #tpu.memory_space<semaphore_mem>>)
      %mul3A_1257 = arith.constant 8 : i32
      %mul3A_1258 = arith.muli %scan3A_654, %mul3A_1257 : i32
      %add3A_1259 = arith.constant 7 : i32
      %add3A_1260 = arith.addi %mul3A_1258, %add3A_1259 : i32
      %dma_wait3A_1261 = arith.constant 0 : i32
      %dma_wait3A_1262 = arith.constant 0 : i32
      %dma_wait3A_1263 = tpu.memref_slice %arg3[%dma_wait3A_1261, %dma_wait3A_1262] : memref<32x1000000xf32, #tpu.memory_space<hbm>> -> memref<32x128xf32, #tpu.memory_space<hbm>>
      %dma_wait3A_1264 = arith.constant 0 : i32
      %dma_wait3A_1265 = arith.constant 0 : i32
      %dma_wait3A_1266 = tpu.memref_slice %arg3[%dma_wait3A_1264, %dma_wait3A_1265] : memref<32x1000000xf32, #tpu.memory_space<hbm>> -> memref<32x128xf32, #tpu.memory_space<hbm>>
      tpu.wait_dma2 semaphore(%arg22 : memref<!tpu.dma_semaphore, #tpu.memory_space<semaphore_mem>>) src(%dma_wait3A_1266 : memref<32x128xf32, #tpu.memory_space<hbm>>) dst(%arg14 : memref<32x128xf32, #tpu.memory_space<vmem>>)
      %shift_right_logical3A_1267 = arith.constant 4 : i32
      %shift_right_logical3A_1268 = arith.shrui %add3A_1260, %shift_right_logical3A_1267 : i32
      %mul3A_1269 = arith.constant 16 : i32
      %mul3A_1270 = arith.muli %shift_right_logical3A_1268, %mul3A_1269 : i32
      %get3A_1271 = arith.index_cast %mul3A_1270 : i32 to index
      %get3A_1272 = tpu.vector_load %arg5[%get3A_1271] {strides = array<i32>} : memref<512xi32, #tpu.memory_space<vmem>>, vector<16xi32>,
      %and3A_1273 = arith.constant 15 : i32
      %and3A_1274 = arith.andi %add3A_1260, %and3A_1273 : i32
      %eq3A_1275 = vector.broadcast %and3A_1274 : i32 to vector<16xi32>
      %eq3A_1276 = arith.cmpi eq, %iota3A, %eq3A_1275 : vector<16xi32>
      %jit3A_1277 = arith.constant 0 : i32
      %broadcast_in_dim3A_1278 = vector.broadcast %jit3A_1277 : i32 to vector<16xi32>
      %select_n3A_1279 = arith.select %eq3A_1276, %get3A_1272, %broadcast_in_dim3A_1278 : vector<16xi1>, vector<16xi32>
      %reduce_max3A_1280 = arith.constant true
      %reduce_max3A_1281 = vector.broadcast %reduce_max3A_1280 : i1 to vector<16xi1>
      %reduce_max3A_1282 = arith.constant -2147483648 : i32
      %reduce_max3A_1283 = vector.broadcast %reduce_max3A_1282 : i32 to vector<16xi32>
      %reduce_max3A_1284 = arith.xori %select_n3A_1279, %reduce_max3A_1283 : vector<16xi32>
      %reduce_max3A_1285 = tpu.scan <max>, %reduce_max3A_1284 masked %reduce_max3A_1281 : vector<16xi32>, vector<16xi1> -> vector<16xi32>
      %reduce_max3A_1286 = arith.xori %reduce_max3A_1285, %reduce_max3A_1283 : vector<16xi32>
      %reduce_max3A_1287 = vector.extract %reduce_max3A_1286[15] : i32 from vector<16xi32>
      %and3A_1288 = arith.constant 127 : i32
      %and3A_1289 = arith.andi %reduce_max3A_1287, %and3A_1288 : i32
      %broadcast_in_dim3A_1290 = arith.constant 0 : i32
      %broadcast_in_dim3A_1291 = vector.broadcast %broadcast_in_dim3A_1290 : i32 to vector<16xi32>
      %add3A_1292 = vector.broadcast %and3A_1289 : i32 to vector<16xi32>
      %add3A_1293 = arith.addi %broadcast_in_dim3A_1291, %add3A_1292 : vector<16xi32>
      %broadcast_in_dim3A_1294 = arith.constant 0 : i32
      %broadcast_in_dim3A_1295 = vector.broadcast %broadcast_in_dim3A_1294 : i32 to vector<16xi32>
      %add3A_1296 = vector.broadcast %add3A_1260 : i32 to vector<16xi32>
      %add3A_1297 = arith.addi %broadcast_in_dim3A_1295, %add3A_1296 : vector<16xi32>
      %gather3A_1298 = tpu.vector_load_idx %arg14[%iota3A, %add3A_1293] : memref<32x128xf32, #tpu.memory_space<vmem>>[vector<16xi32>, vector<16xi32>], vector<16xf32>,
      %gather3A_1299 = tpu.vector_load_idx %arg14[%add3A_5, %add3A_1293] : memref<32x128xf32, #tpu.memory_space<vmem>>[vector<16xi32>, vector<16xi32>], vector<16xf32>,
      tpu.vector_store_idx %arg6[%iota3A, %add3A_1297], %gather3A_1298 : memref<32x512xf32, #tpu.memory_space<vmem>>[vector<16xi32>, vector<16xi32>], vector<16xf32>,
      tpu.vector_store_idx %arg6[%add3A_5, %add3A_1297], %gather3A_1299 : memref<32x512xf32, #tpu.memory_space<vmem>>[vector<16xi32>, vector<16xi32>], vector<16xf32>,
      %bitcast_convert_type3A_1300 = tpu.bitcast %gather3A_1298 : vector<16xf32> -> vector<16xi32>
      %reduce_min3A_1301 = arith.constant true
      %reduce_min3A_1302 = vector.broadcast %reduce_min3A_1301 : i1 to vector<16xi1>
      %reduce_min3A_1303 = arith.constant -2147483648 : i32
      %reduce_min3A_1304 = vector.broadcast %reduce_min3A_1303 : i32 to vector<16xi32>
      %reduce_min3A_1305 = arith.xori %bitcast_convert_type3A_1300, %reduce_min3A_1304 : vector<16xi32>
      %reduce_min3A_1306 = tpu.scan <min>, %reduce_min3A_1305 masked %reduce_min3A_1302 : vector<16xi32>, vector<16xi1> -> vector<16xi32>
      %reduce_min3A_1307 = arith.xori %reduce_min3A_1306, %reduce_min3A_1304 : vector<16xi32>
      %reduce_min3A_1308 = vector.extract %reduce_min3A_1307[15] : i32 from vector<16xi32>
      %and3A_1309 = arith.constant 0 : i32
      %and3A_1310 = arith.andi %reduce_min3A_1308, %and3A_1309 : i32
      %add3A_1311 = arith.constant 8 : i32
      %add3A_1312 = arith.addi %add3A_1260, %add3A_1311 : i32
      %shift_right_logical3A_1313 = arith.constant 4 : i32
      %shift_right_logical3A_1314 = arith.shrui %add3A_1312, %shift_right_logical3A_1313 : i32
      %mul3A_1315 = arith.constant 16 : i32
      %mul3A_1316 = arith.muli %shift_right_logical3A_1314, %mul3A_1315 : i32
      %get3A_1317 = arith.index_cast %mul3A_1316 : i32 to index
      %get3A_1318 = tpu.vector_load %arg5[%get3A_1317] {strides = array<i32>} : memref<512xi32, #tpu.memory_space<vmem>>, vector<16xi32>,
      %and3A_1319 = arith.constant 15 : i32
      %and3A_1320 = arith.andi %add3A_1312, %and3A_1319 : i32
      %eq3A_1321 = vector.broadcast %and3A_1320 : i32 to vector<16xi32>
      %eq3A_1322 = arith.cmpi eq, %iota3A, %eq3A_1321 : vector<16xi32>
      %jit3A_1323 = arith.constant 0 : i32
      %broadcast_in_dim3A_1324 = vector.broadcast %jit3A_1323 : i32 to vector<16xi32>
      %select_n3A_1325 = arith.select %eq3A_1322, %get3A_1318, %broadcast_in_dim3A_1324 : vector<16xi1>, vector<16xi32>
      %reduce_max3A_1326 = arith.constant true
      %reduce_max3A_1327 = vector.broadcast %reduce_max3A_1326 : i1 to vector<16xi1>
      %reduce_max3A_1328 = arith.constant -2147483648 : i32
      %reduce_max3A_1329 = vector.broadcast %reduce_max3A_1328 : i32 to vector<16xi32>
      %reduce_max3A_1330 = arith.xori %select_n3A_1325, %reduce_max3A_1329 : vector<16xi32>
      %reduce_max3A_1331 = tpu.scan <max>, %reduce_max3A_1330 masked %reduce_max3A_1327 : vector<16xi32>, vector<16xi1> -> vector<16xi32>
      %reduce_max3A_1332 = arith.xori %reduce_max3A_1331, %reduce_max3A_1329 : vector<16xi32>
      %reduce_max3A_1333 = vector.extract %reduce_max3A_1332[15] : i32 from vector<16xi32>
      %shift_right_logical3A_1334 = arith.constant 7 : i32
      %shift_right_logical3A_1335 = arith.shrui %reduce_max3A_1333, %shift_right_logical3A_1334 : i32
      %add3A_1336 = arith.addi %shift_right_logical3A_1335, %and3A_1310 : i32
      %mul3A_1337 = arith.constant 128 : i32
      %mul3A_1338 = arith.muli %add3A_1336, %mul3A_1337 : i32
      %dma_start3A_1339 = arith.constant 0 : i32
      %dma_start3A_1340 = tpu.memref_slice %arg3[%dma_start3A_1339, %mul3A_1338] : memref<32x1000000xf32, #tpu.memory_space<hbm>> -> memref<32x128xf32, #tpu.memory_space<hbm>>
      %dma_start3A_1341 = arith.constant 0 : i32
      %dma_start3A_1342 = tpu.memref_slice %arg3[%dma_start3A_1341, %mul3A_1338] : memref<32x1000000xf32, #tpu.memory_space<hbm>> -> memref<32x128xf32, #tpu.memory_space<hbm>>
      tpu.enqueue_dma source(%dma_start3A_1342 : memref<32x128xf32, #tpu.memory_space<hbm>>) target(%arg14 : memref<32x128xf32, #tpu.memory_space<vmem>>) target_semaphore(%arg22 : memref<!tpu.dma_semaphore, #tpu.memory_space<semaphore_mem>>)
    }
    %scan3A_250 = arith.constant 63 : i32
    %dma_wait3A = arith.constant 0 : i32
    %dma_wait3A_251 = arith.constant 0 : i32
    %dma_wait3A_252 = tpu.memref_slice %arg3[%dma_wait3A, %dma_wait3A_251] : memref<32x1000000xf32, #tpu.memory_space<hbm>> -> memref<32x128xf32, #tpu.memory_space<hbm>>
    %dma_wait3A_253 = arith.constant 0 : i32
    %dma_wait3A_254 = arith.constant 0 : i32
    %dma_wait3A_255 = tpu.memref_slice %arg3[%dma_wait3A_253, %dma_wait3A_254] : memref<32x1000000xf32, #tpu.memory_space<hbm>> -> memref<32x128xf32, #tpu.memory_space<hbm>>
    tpu.wait_dma2 semaphore(%arg15 : memref<!tpu.dma_semaphore, #tpu.memory_space<semaphore_mem>>) src(%dma_wait3A_255 : memref<32x128xf32, #tpu.memory_space<hbm>>) dst(%arg7 : memref<32x128xf32, #tpu.memory_space<vmem>>)
    %shift_right_logical3A_256 = arith.constant 504 : i32
    %shift_right_logical3A_257 = arith.constant 4 : i32
    %shift_right_logical3A_258 = arith.shrui %shift_right_logical3A_256, %shift_right_logical3A_257 : i32
    %mul3A_259 = arith.constant 16 : i32
    %mul3A_260 = arith.muli %shift_right_logical3A_258, %mul3A_259 : i32
    %get3A_261 = arith.index_cast %mul3A_260 : i32 to index
    %get3A_262 = tpu.vector_load %arg5[%get3A_261] {strides = array<i32>} : memref<512xi32, #tpu.memory_space<vmem>>, vector<16xi32>,
    %eq3A_263 = arith.constant 8 : i32
    %eq3A_264 = vector.broadcast %eq3A_263 : i32 to vector<16xi32>
    %eq3A_265 = arith.cmpi eq, %iota3A, %eq3A_264 : vector<16xi32>
    %jit3A_266 = arith.constant 0 : i32
    %broadcast_in_dim3A_267 = vector.broadcast %jit3A_266 : i32 to vector<16xi32>
    %select_n3A_268 = arith.select %eq3A_265, %get3A_262, %broadcast_in_dim3A_267 : vector<16xi1>, vector<16xi32>
    %reduce_max3A_269 = arith.constant true
    %reduce_max3A_270 = vector.broadcast %reduce_max3A_269 : i1 to vector<16xi1>
    %reduce_max3A_271 = arith.constant -2147483648 : i32
    %reduce_max3A_272 = vector.broadcast %reduce_max3A_271 : i32 to vector<16xi32>
    %reduce_max3A_273 = arith.xori %select_n3A_268, %reduce_max3A_272 : vector<16xi32>
    %reduce_max3A_274 = tpu.scan <max>, %reduce_max3A_273 masked %reduce_max3A_270 : vector<16xi32>, vector<16xi1> -> vector<16xi32>
    %reduce_max3A_275 = arith.xori %reduce_max3A_274, %reduce_max3A_272 : vector<16xi32>
    %reduce_max3A_276 = vector.extract %reduce_max3A_275[15] : i32 from vector<16xi32>
    %and3A = arith.constant 127 : i32
    %and3A_277 = arith.andi %reduce_max3A_276, %and3A : i32
    %broadcast_in_dim3A_278 = arith.constant 0 : i32
    %broadcast_in_dim3A_279 = vector.broadcast %broadcast_in_dim3A_278 : i32 to vector<16xi32>
    %add3A_280 = vector.broadcast %and3A_277 : i32 to vector<16xi32>
    %add3A_281 = arith.addi %broadcast_in_dim3A_279, %add3A_280 : vector<16xi32>
    %broadcast_in_dim3A_282 = arith.constant 0 : i32
    %broadcast_in_dim3A_283 = vector.broadcast %broadcast_in_dim3A_282 : i32 to vector<16xi32>
    %add3A_284 = arith.constant 504 : i32
    %add3A_285 = vector.broadcast %add3A_284 : i32 to vector<16xi32>
    %add3A_286 = arith.addi %broadcast_in_dim3A_283, %add3A_285 : vector<16xi32>
    %gather3A = tpu.vector_load_idx %arg7[%iota3A, %add3A_281] : memref<32x128xf32, #tpu.memory_space<vmem>>[vector<16xi32>, vector<16xi32>], vector<16xf32>,
    %gather3A_287 = tpu.vector_load_idx %arg7[%add3A_5, %add3A_281] : memref<32x128xf32, #tpu.memory_space<vmem>>[vector<16xi32>, vector<16xi32>], vector<16xf32>,
    tpu.vector_store_idx %arg6[%iota3A, %add3A_286], %gather3A : memref<32x512xf32, #tpu.memory_space<vmem>>[vector<16xi32>, vector<16xi32>], vector<16xf32>,
    tpu.vector_store_idx %arg6[%add3A_5, %add3A_286], %gather3A_287 : memref<32x512xf32, #tpu.memory_space<vmem>>[vector<16xi32>, vector<16xi32>], vector<16xf32>,
    %bitcast_convert_type3A = tpu.bitcast %gather3A : vector<16xf32> -> vector<16xi32>
    %reduce_min3A = arith.constant true
    %reduce_min3A_288 = vector.broadcast %reduce_min3A : i1 to vector<16xi1>
    %reduce_min3A_289 = arith.constant -2147483648 : i32
    %reduce_min3A_290 = vector.broadcast %reduce_min3A_289 : i32 to vector<16xi32>
    %reduce_min3A_291 = arith.xori %bitcast_convert_type3A, %reduce_min3A_290 : vector<16xi32>
    %reduce_min3A_292 = tpu.scan <min>, %reduce_min3A_291 masked %reduce_min3A_288 : vector<16xi32>, vector<16xi1> -> vector<16xi32>
    %reduce_min3A_293 = arith.xori %reduce_min3A_292, %reduce_min3A_290 : vector<16xi32>
    %reduce_min3A_294 = vector.extract %reduce_min3A_293[15] : i32 from vector<16xi32>
    %and3A_295 = arith.constant 0 : i32
    %and3A_296 = arith.andi %reduce_min3A_294, %and3A_295 : i32
    %dma_wait3A_297 = arith.constant 0 : i32
    %dma_wait3A_298 = arith.constant 0 : i32
    %dma_wait3A_299 = tpu.memref_slice %arg3[%dma_wait3A_297, %dma_wait3A_298] : memref<32x1000000xf32, #tpu.memory_space<hbm>> -> memref<32x128xf32, #tpu.memory_space<hbm>>
    %dma_wait3A_300 = arith.constant 0 : i32
    %dma_wait3A_301 = arith.constant 0 : i32
    %dma_wait3A_302 = tpu.memref_slice %arg3[%dma_wait3A_300, %dma_wait3A_301] : memref<32x1000000xf32, #tpu.memory_space<hbm>> -> memref<32x128xf32, #tpu.memory_space<hbm>>
    tpu.wait_dma2 semaphore(%arg16 : memref<!tpu.dma_semaphore, #tpu.memory_space<semaphore_mem>>) src(%dma_wait3A_302 : memref<32x128xf32, #tpu.memory_space<hbm>>) dst(%arg8 : memref<32x128xf32, #tpu.memory_space<vmem>>)
    %shift_right_logical3A_303 = arith.constant 505 : i32
    %shift_right_logical3A_304 = arith.constant 4 : i32
    %shift_right_logical3A_305 = arith.shrui %shift_right_logical3A_303, %shift_right_logical3A_304 : i32
    %mul3A_306 = arith.constant 16 : i32
    %mul3A_307 = arith.muli %shift_right_logical3A_305, %mul3A_306 : i32
    %get3A_308 = arith.index_cast %mul3A_307 : i32 to index
    %get3A_309 = tpu.vector_load %arg5[%get3A_308] {strides = array<i32>} : memref<512xi32, #tpu.memory_space<vmem>>, vector<16xi32>,
    %eq3A_310 = arith.constant 9 : i32
    %eq3A_311 = vector.broadcast %eq3A_310 : i32 to vector<16xi32>
    %eq3A_312 = arith.cmpi eq, %iota3A, %eq3A_311 : vector<16xi32>
    %jit3A_313 = arith.constant 0 : i32
    %broadcast_in_dim3A_314 = vector.broadcast %jit3A_313 : i32 to vector<16xi32>
    %select_n3A_315 = arith.select %eq3A_312, %get3A_309, %broadcast_in_dim3A_314 : vector<16xi1>, vector<16xi32>
    %reduce_max3A_316 = arith.constant true
    %reduce_max3A_317 = vector.broadcast %reduce_max3A_316 : i1 to vector<16xi1>
    %reduce_max3A_318 = arith.constant -2147483648 : i32
    %reduce_max3A_319 = vector.broadcast %reduce_max3A_318 : i32 to vector<16xi32>
    %reduce_max3A_320 = arith.xori %select_n3A_315, %reduce_max3A_319 : vector<16xi32>
    %reduce_max3A_321 = tpu.scan <max>, %reduce_max3A_320 masked %reduce_max3A_317 : vector<16xi32>, vector<16xi1> -> vector<16xi32>
    %reduce_max3A_322 = arith.xori %reduce_max3A_321, %reduce_max3A_319 : vector<16xi32>
    %reduce_max3A_323 = vector.extract %reduce_max3A_322[15] : i32 from vector<16xi32>
    %and3A_324 = arith.constant 127 : i32
    %and3A_325 = arith.andi %reduce_max3A_323, %and3A_324 : i32
    %broadcast_in_dim3A_326 = arith.constant 0 : i32
    %broadcast_in_dim3A_327 = vector.broadcast %broadcast_in_dim3A_326 : i32 to vector<16xi32>
    %add3A_328 = vector.broadcast %and3A_325 : i32 to vector<16xi32>
    %add3A_329 = arith.addi %broadcast_in_dim3A_327, %add3A_328 : vector<16xi32>
    %broadcast_in_dim3A_330 = arith.constant 0 : i32
    %broadcast_in_dim3A_331 = vector.broadcast %broadcast_in_dim3A_330 : i32 to vector<16xi32>
    %add3A_332 = arith.constant 505 : i32
    %add3A_333 = vector.broadcast %add3A_332 : i32 to vector<16xi32>
    %add3A_334 = arith.addi %broadcast_in_dim3A_331, %add3A_333 : vector<16xi32>
    %gather3A_335 = tpu.vector_load_idx %arg8[%iota3A, %add3A_329] : memref<32x128xf32, #tpu.memory_space<vmem>>[vector<16xi32>, vector<16xi32>], vector<16xf32>,
    %gather3A_336 = tpu.vector_load_idx %arg8[%add3A_5, %add3A_329] : memref<32x128xf32, #tpu.memory_space<vmem>>[vector<16xi32>, vector<16xi32>], vector<16xf32>,
    tpu.vector_store_idx %arg6[%iota3A, %add3A_334], %gather3A_335 : memref<32x512xf32, #tpu.memory_space<vmem>>[vector<16xi32>, vector<16xi32>], vector<16xf32>,
    tpu.vector_store_idx %arg6[%add3A_5, %add3A_334], %gather3A_336 : memref<32x512xf32, #tpu.memory_space<vmem>>[vector<16xi32>, vector<16xi32>], vector<16xf32>,
    %bitcast_convert_type3A_337 = tpu.bitcast %gather3A_335 : vector<16xf32> -> vector<16xi32>
    %reduce_min3A_338 = arith.constant true
    %reduce_min3A_339 = vector.broadcast %reduce_min3A_338 : i1 to vector<16xi1>
    %reduce_min3A_340 = arith.constant -2147483648 : i32
    %reduce_min3A_341 = vector.broadcast %reduce_min3A_340 : i32 to vector<16xi32>
    %reduce_min3A_342 = arith.xori %bitcast_convert_type3A_337, %reduce_min3A_341 : vector<16xi32>
    %reduce_min3A_343 = tpu.scan <min>, %reduce_min3A_342 masked %reduce_min3A_339 : vector<16xi32>, vector<16xi1> -> vector<16xi32>
    %reduce_min3A_344 = arith.xori %reduce_min3A_343, %reduce_min3A_341 : vector<16xi32>
    %reduce_min3A_345 = vector.extract %reduce_min3A_344[15] : i32 from vector<16xi32>
    %and3A_346 = arith.constant 0 : i32
    %and3A_347 = arith.andi %reduce_min3A_345, %and3A_346 : i32
    %dma_wait3A_348 = arith.constant 0 : i32
    %dma_wait3A_349 = arith.constant 0 : i32
    %dma_wait3A_350 = tpu.memref_slice %arg3[%dma_wait3A_348, %dma_wait3A_349] : memref<32x1000000xf32, #tpu.memory_space<hbm>> -> memref<32x128xf32, #tpu.memory_space<hbm>>
    %dma_wait3A_351 = arith.constant 0 : i32
    %dma_wait3A_352 = arith.constant 0 : i32
    %dma_wait3A_353 = tpu.memref_slice %arg3[%dma_wait3A_351, %dma_wait3A_352] : memref<32x1000000xf32, #tpu.memory_space<hbm>> -> memref<32x128xf32, #tpu.memory_space<hbm>>
    tpu.wait_dma2 semaphore(%arg17 : memref<!tpu.dma_semaphore, #tpu.memory_space<semaphore_mem>>) src(%dma_wait3A_353 : memref<32x128xf32, #tpu.memory_space<hbm>>) dst(%arg9 : memref<32x128xf32, #tpu.memory_space<vmem>>)
    %shift_right_logical3A_354 = arith.constant 506 : i32
    %shift_right_logical3A_355 = arith.constant 4 : i32
    %shift_right_logical3A_356 = arith.shrui %shift_right_logical3A_354, %shift_right_logical3A_355 : i32
    %mul3A_357 = arith.constant 16 : i32
    %mul3A_358 = arith.muli %shift_right_logical3A_356, %mul3A_357 : i32
    %get3A_359 = arith.index_cast %mul3A_358 : i32 to index
    %get3A_360 = tpu.vector_load %arg5[%get3A_359] {strides = array<i32>} : memref<512xi32, #tpu.memory_space<vmem>>, vector<16xi32>,
    %eq3A_361 = arith.constant 10 : i32
    %eq3A_362 = vector.broadcast %eq3A_361 : i32 to vector<16xi32>
    %eq3A_363 = arith.cmpi eq, %iota3A, %eq3A_362 : vector<16xi32>
    %jit3A_364 = arith.constant 0 : i32
    %broadcast_in_dim3A_365 = vector.broadcast %jit3A_364 : i32 to vector<16xi32>
    %select_n3A_366 = arith.select %eq3A_363, %get3A_360, %broadcast_in_dim3A_365 : vector<16xi1>, vector<16xi32>
    %reduce_max3A_367 = arith.constant true
    %reduce_max3A_368 = vector.broadcast %reduce_max3A_367 : i1 to vector<16xi1>
    %reduce_max3A_369 = arith.constant -2147483648 : i32
    %reduce_max3A_370 = vector.broadcast %reduce_max3A_369 : i32 to vector<16xi32>
    %reduce_max3A_371 = arith.xori %select_n3A_366, %reduce_max3A_370 : vector<16xi32>
    %reduce_max3A_372 = tpu.scan <max>, %reduce_max3A_371 masked %reduce_max3A_368 : vector<16xi32>, vector<16xi1> -> vector<16xi32>
    %reduce_max3A_373 = arith.xori %reduce_max3A_372, %reduce_max3A_370 : vector<16xi32>
    %reduce_max3A_374 = vector.extract %reduce_max3A_373[15] : i32 from vector<16xi32>
    %and3A_375 = arith.constant 127 : i32
    %and3A_376 = arith.andi %reduce_max3A_374, %and3A_375 : i32
    %broadcast_in_dim3A_377 = arith.constant 0 : i32
    %broadcast_in_dim3A_378 = vector.broadcast %broadcast_in_dim3A_377 : i32 to vector<16xi32>
    %add3A_379 = vector.broadcast %and3A_376 : i32 to vector<16xi32>
    %add3A_380 = arith.addi %broadcast_in_dim3A_378, %add3A_379 : vector<16xi32>
    %broadcast_in_dim3A_381 = arith.constant 0 : i32
    %broadcast_in_dim3A_382 = vector.broadcast %broadcast_in_dim3A_381 : i32 to vector<16xi32>
    %add3A_383 = arith.constant 506 : i32
    %add3A_384 = vector.broadcast %add3A_383 : i32 to vector<16xi32>
    %add3A_385 = arith.addi %broadcast_in_dim3A_382, %add3A_384 : vector<16xi32>
    %gather3A_386 = tpu.vector_load_idx %arg9[%iota3A, %add3A_380] : memref<32x128xf32, #tpu.memory_space<vmem>>[vector<16xi32>, vector<16xi32>], vector<16xf32>,
    %gather3A_387 = tpu.vector_load_idx %arg9[%add3A_5, %add3A_380] : memref<32x128xf32, #tpu.memory_space<vmem>>[vector<16xi32>, vector<16xi32>], vector<16xf32>,
    tpu.vector_store_idx %arg6[%iota3A, %add3A_385], %gather3A_386 : memref<32x512xf32, #tpu.memory_space<vmem>>[vector<16xi32>, vector<16xi32>], vector<16xf32>,
    tpu.vector_store_idx %arg6[%add3A_5, %add3A_385], %gather3A_387 : memref<32x512xf32, #tpu.memory_space<vmem>>[vector<16xi32>, vector<16xi32>], vector<16xf32>,
    %bitcast_convert_type3A_388 = tpu.bitcast %gather3A_386 : vector<16xf32> -> vector<16xi32>
    %reduce_min3A_389 = arith.constant true
    %reduce_min3A_390 = vector.broadcast %reduce_min3A_389 : i1 to vector<16xi1>
    %reduce_min3A_391 = arith.constant -2147483648 : i32
    %reduce_min3A_392 = vector.broadcast %reduce_min3A_391 : i32 to vector<16xi32>
    %reduce_min3A_393 = arith.xori %bitcast_convert_type3A_388, %reduce_min3A_392 : vector<16xi32>
    %reduce_min3A_394 = tpu.scan <min>, %reduce_min3A_393 masked %reduce_min3A_390 : vector<16xi32>, vector<16xi1> -> vector<16xi32>
    %reduce_min3A_395 = arith.xori %reduce_min3A_394, %reduce_min3A_392 : vector<16xi32>
    %reduce_min3A_396 = vector.extract %reduce_min3A_395[15] : i32 from vector<16xi32>
    %and3A_397 = arith.constant 0 : i32
    %and3A_398 = arith.andi %reduce_min3A_396, %and3A_397 : i32
    %dma_wait3A_399 = arith.constant 0 : i32
    %dma_wait3A_400 = arith.constant 0 : i32
    %dma_wait3A_401 = tpu.memref_slice %arg3[%dma_wait3A_399, %dma_wait3A_400] : memref<32x1000000xf32, #tpu.memory_space<hbm>> -> memref<32x128xf32, #tpu.memory_space<hbm>>
    %dma_wait3A_402 = arith.constant 0 : i32
    %dma_wait3A_403 = arith.constant 0 : i32
    %dma_wait3A_404 = tpu.memref_slice %arg3[%dma_wait3A_402, %dma_wait3A_403] : memref<32x1000000xf32, #tpu.memory_space<hbm>> -> memref<32x128xf32, #tpu.memory_space<hbm>>
    tpu.wait_dma2 semaphore(%arg18 : memref<!tpu.dma_semaphore, #tpu.memory_space<semaphore_mem>>) src(%dma_wait3A_404 : memref<32x128xf32, #tpu.memory_space<hbm>>) dst(%arg10 : memref<32x128xf32, #tpu.memory_space<vmem>>)
    %shift_right_logical3A_405 = arith.constant 507 : i32
    %shift_right_logical3A_406 = arith.constant 4 : i32
    %shift_right_logical3A_407 = arith.shrui %shift_right_logical3A_405, %shift_right_logical3A_406 : i32
    %mul3A_408 = arith.constant 16 : i32
    %mul3A_409 = arith.muli %shift_right_logical3A_407, %mul3A_408 : i32
    %get3A_410 = arith.index_cast %mul3A_409 : i32 to index
    %get3A_411 = tpu.vector_load %arg5[%get3A_410] {strides = array<i32>} : memref<512xi32, #tpu.memory_space<vmem>>, vector<16xi32>,
    %eq3A_412 = arith.constant 11 : i32
    %eq3A_413 = vector.broadcast %eq3A_412 : i32 to vector<16xi32>
    %eq3A_414 = arith.cmpi eq, %iota3A, %eq3A_413 : vector<16xi32>
    %jit3A_415 = arith.constant 0 : i32
    %broadcast_in_dim3A_416 = vector.broadcast %jit3A_415 : i32 to vector<16xi32>
    %select_n3A_417 = arith.select %eq3A_414, %get3A_411, %broadcast_in_dim3A_416 : vector<16xi1>, vector<16xi32>
    %reduce_max3A_418 = arith.constant true
    %reduce_max3A_419 = vector.broadcast %reduce_max3A_418 : i1 to vector<16xi1>
    %reduce_max3A_420 = arith.constant -2147483648 : i32
    %reduce_max3A_421 = vector.broadcast %reduce_max3A_420 : i32 to vector<16xi32>
    %reduce_max3A_422 = arith.xori %select_n3A_417, %reduce_max3A_421 : vector<16xi32>
    %reduce_max3A_423 = tpu.scan <max>, %reduce_max3A_422 masked %reduce_max3A_419 : vector<16xi32>, vector<16xi1> -> vector<16xi32>
    %reduce_max3A_424 = arith.xori %reduce_max3A_423, %reduce_max3A_421 : vector<16xi32>
    %reduce_max3A_425 = vector.extract %reduce_max3A_424[15] : i32 from vector<16xi32>
    %and3A_426 = arith.constant 127 : i32
    %and3A_427 = arith.andi %reduce_max3A_425, %and3A_426 : i32
    %broadcast_in_dim3A_428 = arith.constant 0 : i32
    %broadcast_in_dim3A_429 = vector.broadcast %broadcast_in_dim3A_428 : i32 to vector<16xi32>
    %add3A_430 = vector.broadcast %and3A_427 : i32 to vector<16xi32>
    %add3A_431 = arith.addi %broadcast_in_dim3A_429, %add3A_430 : vector<16xi32>
    %broadcast_in_dim3A_432 = arith.constant 0 : i32
    %broadcast_in_dim3A_433 = vector.broadcast %broadcast_in_dim3A_432 : i32 to vector<16xi32>
    %add3A_434 = arith.constant 507 : i32
    %add3A_435 = vector.broadcast %add3A_434 : i32 to vector<16xi32>
    %add3A_436 = arith.addi %broadcast_in_dim3A_433, %add3A_435 : vector<16xi32>
    %gather3A_437 = tpu.vector_load_idx %arg10[%iota3A, %add3A_431] : memref<32x128xf32, #tpu.memory_space<vmem>>[vector<16xi32>, vector<16xi32>], vector<16xf32>,
    %gather3A_438 = tpu.vector_load_idx %arg10[%add3A_5, %add3A_431] : memref<32x128xf32, #tpu.memory_space<vmem>>[vector<16xi32>, vector<16xi32>], vector<16xf32>,
    tpu.vector_store_idx %arg6[%iota3A, %add3A_436], %gather3A_437 : memref<32x512xf32, #tpu.memory_space<vmem>>[vector<16xi32>, vector<16xi32>], vector<16xf32>,
    tpu.vector_store_idx %arg6[%add3A_5, %add3A_436], %gather3A_438 : memref<32x512xf32, #tpu.memory_space<vmem>>[vector<16xi32>, vector<16xi32>], vector<16xf32>,
    %bitcast_convert_type3A_439 = tpu.bitcast %gather3A_437 : vector<16xf32> -> vector<16xi32>
    %reduce_min3A_440 = arith.constant true
    %reduce_min3A_441 = vector.broadcast %reduce_min3A_440 : i1 to vector<16xi1>
    %reduce_min3A_442 = arith.constant -2147483648 : i32
    %reduce_min3A_443 = vector.broadcast %reduce_min3A_442 : i32 to vector<16xi32>
    %reduce_min3A_444 = arith.xori %bitcast_convert_type3A_439, %reduce_min3A_443 : vector<16xi32>
    %reduce_min3A_445 = tpu.scan <min>, %reduce_min3A_444 masked %reduce_min3A_441 : vector<16xi32>, vector<16xi1> -> vector<16xi32>
    %reduce_min3A_446 = arith.xori %reduce_min3A_445, %reduce_min3A_443 : vector<16xi32>
    %reduce_min3A_447 = vector.extract %reduce_min3A_446[15] : i32 from vector<16xi32>
    %and3A_448 = arith.constant 0 : i32
    %and3A_449 = arith.andi %reduce_min3A_447, %and3A_448 : i32
    %dma_wait3A_450 = arith.constant 0 : i32
    %dma_wait3A_451 = arith.constant 0 : i32
    %dma_wait3A_452 = tpu.memref_slice %arg3[%dma_wait3A_450, %dma_wait3A_451] : memref<32x1000000xf32, #tpu.memory_space<hbm>> -> memref<32x128xf32, #tpu.memory_space<hbm>>
    %dma_wait3A_453 = arith.constant 0 : i32
    %dma_wait3A_454 = arith.constant 0 : i32
    %dma_wait3A_455 = tpu.memref_slice %arg3[%dma_wait3A_453, %dma_wait3A_454] : memref<32x1000000xf32, #tpu.memory_space<hbm>> -> memref<32x128xf32, #tpu.memory_space<hbm>>
    tpu.wait_dma2 semaphore(%arg19 : memref<!tpu.dma_semaphore, #tpu.memory_space<semaphore_mem>>) src(%dma_wait3A_455 : memref<32x128xf32, #tpu.memory_space<hbm>>) dst(%arg11 : memref<32x128xf32, #tpu.memory_space<vmem>>)
    %shift_right_logical3A_456 = arith.constant 508 : i32
    %shift_right_logical3A_457 = arith.constant 4 : i32
    %shift_right_logical3A_458 = arith.shrui %shift_right_logical3A_456, %shift_right_logical3A_457 : i32
    %mul3A_459 = arith.constant 16 : i32
    %mul3A_460 = arith.muli %shift_right_logical3A_458, %mul3A_459 : i32
    %get3A_461 = arith.index_cast %mul3A_460 : i32 to index
    %get3A_462 = tpu.vector_load %arg5[%get3A_461] {strides = array<i32>} : memref<512xi32, #tpu.memory_space<vmem>>, vector<16xi32>,
    %eq3A_463 = arith.constant 12 : i32
    %eq3A_464 = vector.broadcast %eq3A_463 : i32 to vector<16xi32>
    %eq3A_465 = arith.cmpi eq, %iota3A, %eq3A_464 : vector<16xi32>
    %jit3A_466 = arith.constant 0 : i32
    %broadcast_in_dim3A_467 = vector.broadcast %jit3A_466 : i32 to vector<16xi32>
    %select_n3A_468 = arith.select %eq3A_465, %get3A_462, %broadcast_in_dim3A_467 : vector<16xi1>, vector<16xi32>
    %reduce_max3A_469 = arith.constant true
    %reduce_max3A_470 = vector.broadcast %reduce_max3A_469 : i1 to vector<16xi1>
    %reduce_max3A_471 = arith.constant -2147483648 : i32
    %reduce_max3A_472 = vector.broadcast %reduce_max3A_471 : i32 to vector<16xi32>
    %reduce_max3A_473 = arith.xori %select_n3A_468, %reduce_max3A_472 : vector<16xi32>
    %reduce_max3A_474 = tpu.scan <max>, %reduce_max3A_473 masked %reduce_max3A_470 : vector<16xi32>, vector<16xi1> -> vector<16xi32>
    %reduce_max3A_475 = arith.xori %reduce_max3A_474, %reduce_max3A_472 : vector<16xi32>
    %reduce_max3A_476 = vector.extract %reduce_max3A_475[15] : i32 from vector<16xi32>
    %and3A_477 = arith.constant 127 : i32
    %and3A_478 = arith.andi %reduce_max3A_476, %and3A_477 : i32
    %broadcast_in_dim3A_479 = arith.constant 0 : i32
    %broadcast_in_dim3A_480 = vector.broadcast %broadcast_in_dim3A_479 : i32 to vector<16xi32>
    %add3A_481 = vector.broadcast %and3A_478 : i32 to vector<16xi32>
    %add3A_482 = arith.addi %broadcast_in_dim3A_480, %add3A_481 : vector<16xi32>
    %broadcast_in_dim3A_483 = arith.constant 0 : i32
    %broadcast_in_dim3A_484 = vector.broadcast %broadcast_in_dim3A_483 : i32 to vector<16xi32>
    %add3A_485 = arith.constant 508 : i32
    %add3A_486 = vector.broadcast %add3A_485 : i32 to vector<16xi32>
    %add3A_487 = arith.addi %broadcast_in_dim3A_484, %add3A_486 : vector<16xi32>
    %gather3A_488 = tpu.vector_load_idx %arg11[%iota3A, %add3A_482] : memref<32x128xf32, #tpu.memory_space<vmem>>[vector<16xi32>, vector<16xi32>], vector<16xf32>,
    %gather3A_489 = tpu.vector_load_idx %arg11[%add3A_5, %add3A_482] : memref<32x128xf32, #tpu.memory_space<vmem>>[vector<16xi32>, vector<16xi32>], vector<16xf32>,
    tpu.vector_store_idx %arg6[%iota3A, %add3A_487], %gather3A_488 : memref<32x512xf32, #tpu.memory_space<vmem>>[vector<16xi32>, vector<16xi32>], vector<16xf32>,
    tpu.vector_store_idx %arg6[%add3A_5, %add3A_487], %gather3A_489 : memref<32x512xf32, #tpu.memory_space<vmem>>[vector<16xi32>, vector<16xi32>], vector<16xf32>,
    %bitcast_convert_type3A_490 = tpu.bitcast %gather3A_488 : vector<16xf32> -> vector<16xi32>
    %reduce_min3A_491 = arith.constant true
    %reduce_min3A_492 = vector.broadcast %reduce_min3A_491 : i1 to vector<16xi1>
    %reduce_min3A_493 = arith.constant -2147483648 : i32
    %reduce_min3A_494 = vector.broadcast %reduce_min3A_493 : i32 to vector<16xi32>
    %reduce_min3A_495 = arith.xori %bitcast_convert_type3A_490, %reduce_min3A_494 : vector<16xi32>
    %reduce_min3A_496 = tpu.scan <min>, %reduce_min3A_495 masked %reduce_min3A_492 : vector<16xi32>, vector<16xi1> -> vector<16xi32>
    %reduce_min3A_497 = arith.xori %reduce_min3A_496, %reduce_min3A_494 : vector<16xi32>
    %reduce_min3A_498 = vector.extract %reduce_min3A_497[15] : i32 from vector<16xi32>
    %and3A_499 = arith.constant 0 : i32
    %and3A_500 = arith.andi %reduce_min3A_498, %and3A_499 : i32
    %dma_wait3A_501 = arith.constant 0 : i32
    %dma_wait3A_502 = arith.constant 0 : i32
    %dma_wait3A_503 = tpu.memref_slice %arg3[%dma_wait3A_501, %dma_wait3A_502] : memref<32x1000000xf32, #tpu.memory_space<hbm>> -> memref<32x128xf32, #tpu.memory_space<hbm>>
    %dma_wait3A_504 = arith.constant 0 : i32
    %dma_wait3A_505 = arith.constant 0 : i32
    %dma_wait3A_506 = tpu.memref_slice %arg3[%dma_wait3A_504, %dma_wait3A_505] : memref<32x1000000xf32, #tpu.memory_space<hbm>> -> memref<32x128xf32, #tpu.memory_space<hbm>>
    tpu.wait_dma2 semaphore(%arg20 : memref<!tpu.dma_semaphore, #tpu.memory_space<semaphore_mem>>) src(%dma_wait3A_506 : memref<32x128xf32, #tpu.memory_space<hbm>>) dst(%arg12 : memref<32x128xf32, #tpu.memory_space<vmem>>)
    %shift_right_logical3A_507 = arith.constant 509 : i32
    %shift_right_logical3A_508 = arith.constant 4 : i32
    %shift_right_logical3A_509 = arith.shrui %shift_right_logical3A_507, %shift_right_logical3A_508 : i32
    %mul3A_510 = arith.constant 16 : i32
    %mul3A_511 = arith.muli %shift_right_logical3A_509, %mul3A_510 : i32
    %get3A_512 = arith.index_cast %mul3A_511 : i32 to index
    %get3A_513 = tpu.vector_load %arg5[%get3A_512] {strides = array<i32>} : memref<512xi32, #tpu.memory_space<vmem>>, vector<16xi32>,
    %eq3A_514 = arith.constant 13 : i32
    %eq3A_515 = vector.broadcast %eq3A_514 : i32 to vector<16xi32>
    %eq3A_516 = arith.cmpi eq, %iota3A, %eq3A_515 : vector<16xi32>
    %jit3A_517 = arith.constant 0 : i32
    %broadcast_in_dim3A_518 = vector.broadcast %jit3A_517 : i32 to vector<16xi32>
    %select_n3A_519 = arith.select %eq3A_516, %get3A_513, %broadcast_in_dim3A_518 : vector<16xi1>, vector<16xi32>
    %reduce_max3A_520 = arith.constant true
    %reduce_max3A_521 = vector.broadcast %reduce_max3A_520 : i1 to vector<16xi1>
    %reduce_max3A_522 = arith.constant -2147483648 : i32
    %reduce_max3A_523 = vector.broadcast %reduce_max3A_522 : i32 to vector<16xi32>
    %reduce_max3A_524 = arith.xori %select_n3A_519, %reduce_max3A_523 : vector<16xi32>
    %reduce_max3A_525 = tpu.scan <max>, %reduce_max3A_524 masked %reduce_max3A_521 : vector<16xi32>, vector<16xi1> -> vector<16xi32>
    %reduce_max3A_526 = arith.xori %reduce_max3A_525, %reduce_max3A_523 : vector<16xi32>
    %reduce_max3A_527 = vector.extract %reduce_max3A_526[15] : i32 from vector<16xi32>
    %and3A_528 = arith.constant 127 : i32
    %and3A_529 = arith.andi %reduce_max3A_527, %and3A_528 : i32
    %broadcast_in_dim3A_530 = arith.constant 0 : i32
    %broadcast_in_dim3A_531 = vector.broadcast %broadcast_in_dim3A_530 : i32 to vector<16xi32>
    %add3A_532 = vector.broadcast %and3A_529 : i32 to vector<16xi32>
    %add3A_533 = arith.addi %broadcast_in_dim3A_531, %add3A_532 : vector<16xi32>
    %broadcast_in_dim3A_534 = arith.constant 0 : i32
    %broadcast_in_dim3A_535 = vector.broadcast %broadcast_in_dim3A_534 : i32 to vector<16xi32>
    %add3A_536 = arith.constant 509 : i32
    %add3A_537 = vector.broadcast %add3A_536 : i32 to vector<16xi32>
    %add3A_538 = arith.addi %broadcast_in_dim3A_535, %add3A_537 : vector<16xi32>
    %gather3A_539 = tpu.vector_load_idx %arg12[%iota3A, %add3A_533] : memref<32x128xf32, #tpu.memory_space<vmem>>[vector<16xi32>, vector<16xi32>], vector<16xf32>,
    %gather3A_540 = tpu.vector_load_idx %arg12[%add3A_5, %add3A_533] : memref<32x128xf32, #tpu.memory_space<vmem>>[vector<16xi32>, vector<16xi32>], vector<16xf32>,
    tpu.vector_store_idx %arg6[%iota3A, %add3A_538], %gather3A_539 : memref<32x512xf32, #tpu.memory_space<vmem>>[vector<16xi32>, vector<16xi32>], vector<16xf32>,
    tpu.vector_store_idx %arg6[%add3A_5, %add3A_538], %gather3A_540 : memref<32x512xf32, #tpu.memory_space<vmem>>[vector<16xi32>, vector<16xi32>], vector<16xf32>,
    %bitcast_convert_type3A_541 = tpu.bitcast %gather3A_539 : vector<16xf32> -> vector<16xi32>
    %reduce_min3A_542 = arith.constant true
    %reduce_min3A_543 = vector.broadcast %reduce_min3A_542 : i1 to vector<16xi1>
    %reduce_min3A_544 = arith.constant -2147483648 : i32
    %reduce_min3A_545 = vector.broadcast %reduce_min3A_544 : i32 to vector<16xi32>
    %reduce_min3A_546 = arith.xori %bitcast_convert_type3A_541, %reduce_min3A_545 : vector<16xi32>
    %reduce_min3A_547 = tpu.scan <min>, %reduce_min3A_546 masked %reduce_min3A_543 : vector<16xi32>, vector<16xi1> -> vector<16xi32>
    %reduce_min3A_548 = arith.xori %reduce_min3A_547, %reduce_min3A_545 : vector<16xi32>
    %reduce_min3A_549 = vector.extract %reduce_min3A_548[15] : i32 from vector<16xi32>
    %and3A_550 = arith.constant 0 : i32
    %and3A_551 = arith.andi %reduce_min3A_549, %and3A_550 : i32
    %dma_wait3A_552 = arith.constant 0 : i32
    %dma_wait3A_553 = arith.constant 0 : i32
    %dma_wait3A_554 = tpu.memref_slice %arg3[%dma_wait3A_552, %dma_wait3A_553] : memref<32x1000000xf32, #tpu.memory_space<hbm>> -> memref<32x128xf32, #tpu.memory_space<hbm>>
    %dma_wait3A_555 = arith.constant 0 : i32
    %dma_wait3A_556 = arith.constant 0 : i32
    %dma_wait3A_557 = tpu.memref_slice %arg3[%dma_wait3A_555, %dma_wait3A_556] : memref<32x1000000xf32, #tpu.memory_space<hbm>> -> memref<32x128xf32, #tpu.memory_space<hbm>>
    tpu.wait_dma2 semaphore(%arg21 : memref<!tpu.dma_semaphore, #tpu.memory_space<semaphore_mem>>) src(%dma_wait3A_557 : memref<32x128xf32, #tpu.memory_space<hbm>>) dst(%arg13 : memref<32x128xf32, #tpu.memory_space<vmem>>)
    %shift_right_logical3A_558 = arith.constant 510 : i32
    %shift_right_logical3A_559 = arith.constant 4 : i32
    %shift_right_logical3A_560 = arith.shrui %shift_right_logical3A_558, %shift_right_logical3A_559 : i32
    %mul3A_561 = arith.constant 16 : i32
    %mul3A_562 = arith.muli %shift_right_logical3A_560, %mul3A_561 : i32
    %get3A_563 = arith.index_cast %mul3A_562 : i32 to index
    %get3A_564 = tpu.vector_load %arg5[%get3A_563] {strides = array<i32>} : memref<512xi32, #tpu.memory_space<vmem>>, vector<16xi32>,
    %eq3A_565 = arith.constant 14 : i32
    %eq3A_566 = vector.broadcast %eq3A_565 : i32 to vector<16xi32>
    %eq3A_567 = arith.cmpi eq, %iota3A, %eq3A_566 : vector<16xi32>
    %jit3A_568 = arith.constant 0 : i32
    %broadcast_in_dim3A_569 = vector.broadcast %jit3A_568 : i32 to vector<16xi32>
    %select_n3A_570 = arith.select %eq3A_567, %get3A_564, %broadcast_in_dim3A_569 : vector<16xi1>, vector<16xi32>
    %reduce_max3A_571 = arith.constant true
    %reduce_max3A_572 = vector.broadcast %reduce_max3A_571 : i1 to vector<16xi1>
    %reduce_max3A_573 = arith.constant -2147483648 : i32
    %reduce_max3A_574 = vector.broadcast %reduce_max3A_573 : i32 to vector<16xi32>
    %reduce_max3A_575 = arith.xori %select_n3A_570, %reduce_max3A_574 : vector<16xi32>
    %reduce_max3A_576 = tpu.scan <max>, %reduce_max3A_575 masked %reduce_max3A_572 : vector<16xi32>, vector<16xi1> -> vector<16xi32>
    %reduce_max3A_577 = arith.xori %reduce_max3A_576, %reduce_max3A_574 : vector<16xi32>
    %reduce_max3A_578 = vector.extract %reduce_max3A_577[15] : i32 from vector<16xi32>
    %and3A_579 = arith.constant 127 : i32
    %and3A_580 = arith.andi %reduce_max3A_578, %and3A_579 : i32
    %broadcast_in_dim3A_581 = arith.constant 0 : i32
    %broadcast_in_dim3A_582 = vector.broadcast %broadcast_in_dim3A_581 : i32 to vector<16xi32>
    %add3A_583 = vector.broadcast %and3A_580 : i32 to vector<16xi32>
    %add3A_584 = arith.addi %broadcast_in_dim3A_582, %add3A_583 : vector<16xi32>
    %broadcast_in_dim3A_585 = arith.constant 0 : i32
    %broadcast_in_dim3A_586 = vector.broadcast %broadcast_in_dim3A_585 : i32 to vector<16xi32>
    %add3A_587 = arith.constant 510 : i32
    %add3A_588 = vector.broadcast %add3A_587 : i32 to vector<16xi32>
    %add3A_589 = arith.addi %broadcast_in_dim3A_586, %add3A_588 : vector<16xi32>
    %gather3A_590 = tpu.vector_load_idx %arg13[%iota3A, %add3A_584] : memref<32x128xf32, #tpu.memory_space<vmem>>[vector<16xi32>, vector<16xi32>], vector<16xf32>,
    %gather3A_591 = tpu.vector_load_idx %arg13[%add3A_5, %add3A_584] : memref<32x128xf32, #tpu.memory_space<vmem>>[vector<16xi32>, vector<16xi32>], vector<16xf32>,
    tpu.vector_store_idx %arg6[%iota3A, %add3A_589], %gather3A_590 : memref<32x512xf32, #tpu.memory_space<vmem>>[vector<16xi32>, vector<16xi32>], vector<16xf32>,
    tpu.vector_store_idx %arg6[%add3A_5, %add3A_589], %gather3A_591 : memref<32x512xf32, #tpu.memory_space<vmem>>[vector<16xi32>, vector<16xi32>], vector<16xf32>,
    %bitcast_convert_type3A_592 = tpu.bitcast %gather3A_590 : vector<16xf32> -> vector<16xi32>
    %reduce_min3A_593 = arith.constant true
    %reduce_min3A_594 = vector.broadcast %reduce_min3A_593 : i1 to vector<16xi1>
    %reduce_min3A_595 = arith.constant -2147483648 : i32
    %reduce_min3A_596 = vector.broadcast %reduce_min3A_595 : i32 to vector<16xi32>
    %reduce_min3A_597 = arith.xori %bitcast_convert_type3A_592, %reduce_min3A_596 : vector<16xi32>
    %reduce_min3A_598 = tpu.scan <min>, %reduce_min3A_597 masked %reduce_min3A_594 : vector<16xi32>, vector<16xi1> -> vector<16xi32>
    %reduce_min3A_599 = arith.xori %reduce_min3A_598, %reduce_min3A_596 : vector<16xi32>
    %reduce_min3A_600 = vector.extract %reduce_min3A_599[15] : i32 from vector<16xi32>
    %and3A_601 = arith.constant 0 : i32
    %and3A_602 = arith.andi %reduce_min3A_600, %and3A_601 : i32
    %dma_wait3A_603 = arith.constant 0 : i32
    %dma_wait3A_604 = arith.constant 0 : i32
    %dma_wait3A_605 = tpu.memref_slice %arg3[%dma_wait3A_603, %dma_wait3A_604] : memref<32x1000000xf32, #tpu.memory_space<hbm>> -> memref<32x128xf32, #tpu.memory_space<hbm>>
    %dma_wait3A_606 = arith.constant 0 : i32
    %dma_wait3A_607 = arith.constant 0 : i32
    %dma_wait3A_608 = tpu.memref_slice %arg3[%dma_wait3A_606, %dma_wait3A_607] : memref<32x1000000xf32, #tpu.memory_space<hbm>> -> memref<32x128xf32, #tpu.memory_space<hbm>>
    tpu.wait_dma2 semaphore(%arg22 : memref<!tpu.dma_semaphore, #tpu.memory_space<semaphore_mem>>) src(%dma_wait3A_608 : memref<32x128xf32, #tpu.memory_space<hbm>>) dst(%arg14 : memref<32x128xf32, #tpu.memory_space<vmem>>)
    %shift_right_logical3A_609 = arith.constant 511 : i32
    %shift_right_logical3A_610 = arith.constant 4 : i32
    %shift_right_logical3A_611 = arith.shrui %shift_right_logical3A_609, %shift_right_logical3A_610 : i32
    %mul3A_612 = arith.constant 16 : i32
    %mul3A_613 = arith.muli %shift_right_logical3A_611, %mul3A_612 : i32
    %get3A_614 = arith.index_cast %mul3A_613 : i32 to index
    %get3A_615 = tpu.vector_load %arg5[%get3A_614] {strides = array<i32>} : memref<512xi32, #tpu.memory_space<vmem>>, vector<16xi32>,
    %eq3A_616 = arith.constant 15 : i32
    %eq3A_617 = vector.broadcast %eq3A_616 : i32 to vector<16xi32>
    %eq3A_618 = arith.cmpi eq, %iota3A, %eq3A_617 : vector<16xi32>
    %jit3A_619 = arith.constant 0 : i32
    %broadcast_in_dim3A_620 = vector.broadcast %jit3A_619 : i32 to vector<16xi32>
    %select_n3A_621 = arith.select %eq3A_618, %get3A_615, %broadcast_in_dim3A_620 : vector<16xi1>, vector<16xi32>
    %reduce_max3A_622 = arith.constant true
    %reduce_max3A_623 = vector.broadcast %reduce_max3A_622 : i1 to vector<16xi1>
    %reduce_max3A_624 = arith.constant -2147483648 : i32
    %reduce_max3A_625 = vector.broadcast %reduce_max3A_624 : i32 to vector<16xi32>
    %reduce_max3A_626 = arith.xori %select_n3A_621, %reduce_max3A_625 : vector<16xi32>
    %reduce_max3A_627 = tpu.scan <max>, %reduce_max3A_626 masked %reduce_max3A_623 : vector<16xi32>, vector<16xi1> -> vector<16xi32>
    %reduce_max3A_628 = arith.xori %reduce_max3A_627, %reduce_max3A_625 : vector<16xi32>
    %reduce_max3A_629 = vector.extract %reduce_max3A_628[15] : i32 from vector<16xi32>
    %and3A_630 = arith.constant 127 : i32
    %and3A_631 = arith.andi %reduce_max3A_629, %and3A_630 : i32
    %broadcast_in_dim3A_632 = arith.constant 0 : i32
    %broadcast_in_dim3A_633 = vector.broadcast %broadcast_in_dim3A_632 : i32 to vector<16xi32>
    %add3A_634 = vector.broadcast %and3A_631 : i32 to vector<16xi32>
    %add3A_635 = arith.addi %broadcast_in_dim3A_633, %add3A_634 : vector<16xi32>
    %broadcast_in_dim3A_636 = arith.constant 0 : i32
    %broadcast_in_dim3A_637 = vector.broadcast %broadcast_in_dim3A_636 : i32 to vector<16xi32>
    %add3A_638 = arith.constant 511 : i32
    %add3A_639 = vector.broadcast %add3A_638 : i32 to vector<16xi32>
    %add3A_640 = arith.addi %broadcast_in_dim3A_637, %add3A_639 : vector<16xi32>
    %gather3A_641 = tpu.vector_load_idx %arg14[%iota3A, %add3A_635] : memref<32x128xf32, #tpu.memory_space<vmem>>[vector<16xi32>, vector<16xi32>], vector<16xf32>,
    %gather3A_642 = tpu.vector_load_idx %arg14[%add3A_5, %add3A_635] : memref<32x128xf32, #tpu.memory_space<vmem>>[vector<16xi32>, vector<16xi32>], vector<16xf32>,
    tpu.vector_store_idx %arg6[%iota3A, %add3A_640], %gather3A_641 : memref<32x512xf32, #tpu.memory_space<vmem>>[vector<16xi32>, vector<16xi32>], vector<16xf32>,
    tpu.vector_store_idx %arg6[%add3A_5, %add3A_640], %gather3A_642 : memref<32x512xf32, #tpu.memory_space<vmem>>[vector<16xi32>, vector<16xi32>], vector<16xf32>,
    %bitcast_convert_type3A_643 = tpu.bitcast %gather3A_641 : vector<16xf32> -> vector<16xi32>
    %reduce_min3A_644 = arith.constant true
    %reduce_min3A_645 = vector.broadcast %reduce_min3A_644 : i1 to vector<16xi1>
    %reduce_min3A_646 = arith.constant -2147483648 : i32
    %reduce_min3A_647 = vector.broadcast %reduce_min3A_646 : i32 to vector<16xi32>
    %reduce_min3A_648 = arith.xori %bitcast_convert_type3A_643, %reduce_min3A_647 : vector<16xi32>
    %reduce_min3A_649 = tpu.scan <min>, %reduce_min3A_648 masked %reduce_min3A_645 : vector<16xi32>, vector<16xi1> -> vector<16xi32>
    %reduce_min3A_650 = arith.xori %reduce_min3A_649, %reduce_min3A_647 : vector<16xi32>
    %reduce_min3A_651 = vector.extract %reduce_min3A_650[15] : i32 from vector<16xi32>
    %and3A_652 = arith.constant 0 : i32
    %and3A_653 = arith.andi %reduce_min3A_651, %and3A_652 : i32
    %barrier3A = arith.constant 0 : index
    tpu.barrier barrier_id(%barrier3A)
    "tpu.region"() ({
      %run_scoped3A = tpu.sem_alloc : memref<!tpu.dma_semaphore, #tpu.memory_space<semaphore_mem>>
      %dma_start3A_654 = arith.constant 0 : i32
      %dma_start3A_655 = tpu.memref_slice %arg4[%dma_start3A_654, %mul3A_2] : memref<32x16384xf32, #tpu.memory_space<hbm>> -> memref<32x512xf32, #tpu.memory_space<hbm>>
      %dma_start3A_656 = arith.constant 0 : i32
      %dma_start3A_657 = tpu.memref_slice %arg4[%dma_start3A_656, %mul3A_2] : memref<32x16384xf32, #tpu.memory_space<hbm>> -> memref<32x512xf32, #tpu.memory_space<hbm>>
      tpu.enqueue_dma source(%arg6 : memref<32x512xf32, #tpu.memory_space<vmem>>) target(%dma_start3A_657 : memref<32x512xf32, #tpu.memory_space<hbm>>) target_semaphore(%run_scoped3A : memref<!tpu.dma_semaphore, #tpu.memory_space<semaphore_mem>>)
      %dma_wait3A_658 = arith.constant 0 : i32
      %dma_wait3A_659 = tpu.memref_slice %arg4[%dma_wait3A_658, %mul3A_2] : memref<32x16384xf32, #tpu.memory_space<hbm>> -> memref<32x512xf32, #tpu.memory_space<hbm>>
      %dma_wait3A_660 = arith.constant 0 : i32
      %dma_wait3A_661 = tpu.memref_slice %arg4[%dma_wait3A_660, %mul3A_2] : memref<32x16384xf32, #tpu.memory_space<hbm>> -> memref<32x512xf32, #tpu.memory_space<hbm>>
      tpu.wait_dma2 semaphore(%run_scoped3A : memref<!tpu.dma_semaphore, #tpu.memory_space<semaphore_mem>>) src(%arg6 : memref<32x512xf32, #tpu.memory_space<vmem>>) dst(%dma_wait3A_661 : memref<32x512xf32, #tpu.memory_space<hbm>>)
      tpu.yield
    }) : () -> ()
    return
  }
}

</mosaic_0001>

<sc_bundles>
// kernel: kernel.3.cloned.1.call-start
scs
__scs_entry_jumppad:
0x0: {  	(pc) =	sbr.rel $0x88, $3  }
0x1: {  	(tag) =	ssettag $0x0;
	lr =	simm.s32 $0x1  }
0x2: {  	[smem:$0x3F9F] =	sst lr;
	_ =	strace $0xD0000000  }
0x3: {  	_ = 	snop  }
0x4: {  	_ = 	snop  }
0x5: {  	_ = 	snop  }
0x6: {  	_ = 	snop  }
0x7: {  	_ = 	snop  }
__scs_overlays_trampoline_lowered:
0x8: {  	[smem:$0x3FAE] =	sst s0  }
0x9: {  	[smem:$0x3FAF] =	sst s1  }
0xa: {  	[smem:$0x3FB0] =	sst s2  }
0xb: {  	[smem:$0x3FB1] =	sst s3  }
0xc: {  	[smem:$0x3FB2] =	sst s4  }
0xd: {  	[smem:$0x3FB3] =	sst s5  }
0xe: {  	[smem:$0x3FB4] =	sst s6  }
0xf: {  	[smem:$0x3FB5] =	sst s7  }
0x10: {  	[smem:$0x3FB6] =	sst s8  }
0x11: {  	[smem:$0x3FB7] =	sst s9;
	s0 =	simm.s32 @!p0 $0x0  }
0x12: {  	s1 =	sld [smem:$0x3F9D];
	s0 =	simm.s32 @p0 $0x1  }
0x13: {  	[smem:$0x3FB8] =	sst s0;
	s0 =	simm.s32 @!p1 $0x0  }
0x14: {  	s2 =	sld [smem:$0x3F9C];
	s0 =	simm.s32 @p1 $0x1  }
0x15: {  	[smem:$0x3FB9] =	sst s0;
	s0 =	simm.s32 @!p2 $0x0  }
0x16: {  	s3 =	sld [smem:$0x3FDB];
	s0 =	simm.s32 @p2 $0x1  }
0x17: {  	s4 =	simm.s32 $0x1BF5;
	[smem:$0x3FBB] =	sst s0  }
0x18: {  	s0 =	sld [smem:$0x3F9E];
	_ =	swait.ge [sflag:s4], $0x0  }
0x19: {  	s7 =	sld [smem:$0x3F9F]  }
0x1a: {  	s8 =	sadd.s32 $0xFFFFE003, lr  }
0x1b: {  	s9 =	sadd.s32 $0xFFFFFEF7, lr;
	s5 =	simm.s32 $0xFFFFFFFF;
	p2 =	slt.u32 s8, $0xFFFFF086  }
0x1c: {  	p1 =	slt.u32 s9, $0xF7A;
	s5 =	simm.s32 @!p2 $0x0  }
0x1d: {  	s5 =	simm.s32 @p1 $0x1;
	p0 =	seq.s32 s7, s2  }
0x1e: {  	s7 =	smul.u32 @!p0 $0xF7A, s2;
	p2 =	seq.s32 @!p0 s5, $0x0  }
0x1f: {  	s9 =	smul.u32 $0xF7A, s1;
	s8 =	simm.s32 @!p0 $0x1BF5;
	p2 =	por !p2, p0  }
0x20: {  	[sflag:s8] =	ssyncset.s32 @!p0 $0xFFFFF086;
	s6 =	sadd.s32 @!p0 s3, s7;
	s7 =	simm.s32 @!p0 $0x108  }
0x21: {  	s3 =	sadd.s32 s3, s9;
	s6 =	sadd.s32 @!p0 $0x88, s6;
	s7 =	simm.s32 @p2 $0x1082  }
0x22: {  	[simem:s7], [sflag:s8] =	dma.local @!p0 [hbm:s6], $0xF7A  }
0x23: {  	s9 =	sor.u32 $0xD0000000, s2;
	s6 =	simm.s32 $0x108;
	_ =	swait.ge @!p0 [sflag:s8], $0x0  }
0x24: {  	s3 =	sadd.s32 $0x88, s3;
	s6 =	simm.s32 @!p1 $0x1082;
	[sflag:s4] =	ssyncset.s32 $0xFFFFF086  }
0x25: {  	[simem:s6], [sflag:s4] =	dma.local [hbm:s3], $0xF7A  }
0x26: {  	[smem:$0x3F9F] =	sst s1;
	(tag) =	ssettag s2;
	_ =	strace s9  }
0x27: {  	s1 =	sld [smem:$0x3FAF]  }
0x28: {  	s2 =	sld [smem:$0x3FB0]  }
0x29: {  	s4 =	sld [smem:$0x3FB2]  }
0x2a: {  	p0 =	seq.s32 s5, $0x0;
	s5 =	sld [smem:$0x3FB3]  }
0x2b: {  	s6 =	sld [smem:$0x3FB4]  }
0x2c: {  	s7 =	sld [smem:$0x3FB5]  }
0x2d: {  	s3 =	simm.s32 $0x108;
	s8 =	sld [smem:$0x3FB6]  }
0x2e: {  	s3 =	simm.s32 @!p0 $0x1082;
	s9 =	sld [smem:$0x3FB7]  }
0x2f: {  	lr =	sadd.s32 s0, s3;
	s0 =	sld [smem:$0x3FAE]  }
0x30: {  	s3 =	sld [smem:$0x3FB1]  }
0x31: {  	[smem:$0x3FBA] =	sst s10  }
0x32: {  	s10 =	sld [smem:$0x3FB8];
	_ =	sdelay $0x3  }
0x33: {  	p0 =	seq.s32 s10, $0x1;
	s10 =	sld [smem:$0x3FBA];
	_ =	sdelay $0x3  }
0x34: {  	[smem:$0x3FBA] =	sst s10  }
0x35: {  	s10 =	sld [smem:$0x3FB9];
	_ =	sdelay $0x3  }
0x36: {  	p1 =	seq.s32 s10, $0x1;
	s10 =	sld [smem:$0x3FBA];
	_ =	sdelay $0x3  }
0x37: {  	[smem:$0x3FBA] =	sst s10  }
0x38: {  	s10 =	sld [smem:$0x3FBB]  }
0x39: {  	_ = 	snop;
	(pc) =	sbr.ind lr, $3  }
0x3a: {  	_ = 	snop  }
0x3b: {  	_ = 	snop  }
0x3c: {  	p2 =	seq.s32 s10, $0x1;
	s10 =	sld [smem:$0x3FBA]  }
0x3d: {  	_ =	shalt  }
0x3e: {  	_ =	shalt  }
0x3f: {  	_ =	shalt  }
0x40: {  	_ =	shalt  }
0x41: {  	_ =	shalt  }
0x42: {  	_ =	shalt  }
0x43: {  	_ =	shalt  }
0x44: {  	_ =	shalt  }
0x45: {  	_ =	shalt  }
0x46: {  	_ =	shalt  }
0x47: {  	_ =	shalt  }
0x48: {  	_ =	shalt  }
0x49: {  	_ =	shalt  }
0x4a: {  	_ =	shalt  }
0x4b: {  	_ =	shalt  }
0x4c: {  	_ =	shalt  }
0x4d: {  	_ =	shalt  }
0x4e: {  	_ =	shalt  }
0x4f: {  	_ =	shalt  }
0x50: {  	_ =	shalt  }
0x51: {  	_ =	shalt  }
0x52: {  	_ =	shalt  }
0x53: {  	_ =	shalt  }
0x54: {  	_ =	shalt  }
0x55: {  	_ =	shalt  }
0x56: {  	_ =	shalt  }
0x57: {  	_ =	shalt  }
0x58: {  	_ =	shalt  }
0x59: {  	_ =	shalt  }
0x5a: {  	_ =	shalt  }
0x5b: {  	_ =	shalt  }
0x5c: {  	_ =	shalt  }
0x5d: {  	_ =	shalt  }
0x5e: {  	_ =	shalt  }
0x5f: {  	_ =	shalt  }
0x60: {  	_ =	shalt  }
0x61: {  	_ =	shalt  }
0x62: {  	_ =	shalt  }
0x63: {  	_ =	shalt  }
0x64: {  	_ =	shalt  }
0x65: {  	_ =	shalt  }
0x66: {  	_ =	shalt  }
0x67: {  	_ =	shalt  }
0x68: {  	_ =	shalt  }
0x69: {  	_ =	shalt  }
0x6a: {  	_ =	shalt  }
0x6b: {  	_ =	shalt  }
0x6c: {  	_ =	shalt  }
0x6d: {  	_ =	shalt  }
0x6e: {  	_ =	shalt  }
0x6f: {  	_ =	shalt  }
0x70: {  	_ =	shalt  }
0x71: {  	_ =	shalt  }
0x72: {  	_ =	shalt  }
0x73: {  	_ =	shalt  }
0x74: {  	_ =	shalt  }
0x75: {  	_ =	shalt  }
0x76: {  	_ =	shalt  }
0x77: {  	_ =	shalt  }
0x78: {  	_ =	shalt  }
0x79: {  	_ =	shalt  }
0x7a: {  	_ =	shalt  }
0x7b: {  	_ =	shalt  }
0x7c: {  	_ =	shalt  }
0x7d: {  	_ =	shalt  }
0x7e: {  	_ =	shalt  }
0x7f: {  	_ =	shalt  }
0x80: {  	_ =	shalt  }
0x81: {  	_ =	shalt  }
0x82: {  	_ =	shalt  }
0x83: {  	_ =	shalt  }
0x84: {  	_ =	shalt  }
0x85: {  	_ =	shalt  }
0x86: {  	_ =	shalt  }
0x87: {  	_ =	shalt  }
.Lfunc_end0:
.L_simem_size_0:
called_computation_lowered:
.L_overlay_start_0:
0x88: {  	s2 =	sld [smem:$0x3FD9]  }
0x89: {  	s3 =	sld [smem:$0x3FFE];
	_ =	sdelay $0x1  }
0x8a: {  	s1 =	srdreg.scid  }
0x8b: {  	s0 =	sand.u32 $0x1, s1  }
0x8c: {  	s18 =	sshll.u32 s0, $0xA;
	s2 =	sadd.s32 s3, s2  }
0x8d: {  	s2 =	sadd.s32 s2, s18  }
0x8e: {  	[smem:$0x3FC6] =	sst s2  }
0x8f: {  	_ = 	snop  }
0x90: {  	s2 =	sld [smem:$0x3FC9]  }
0x91: {  	s19 =	sld [smem:$0x3FC8]  }
0x92: {  	s4 =	sld [smem:$0x3FD0];
	(tm) =	ssettm $0x1  }
0x93: {  	s5 =	sld [smem:$0x3FFB];
	_ =	sdelay $0x3  }
0x94: {  	_ =	strace s5  }
0x95: {  	s5 =	sld [smem:$0x3FFC];
	_ =	sdelay $0x3  }
0x96: {  	_ =	strace s5  }
0x97: {  	s5 =	sld [smem:$0x3FFD];
	_ =	sdelay $0x3  }
0x98: {  	_ =	strace s5  }
0x99: {  	_ =	strace $0x8FFFFFFF  }
0x9a: {  	s20 =	sld [smem:$0x3FDB];
	_ =	sdelay $0x1  }
0x9b: {  	s6 =	simm.s32 $_scs_section_size  }
0x9c: {  	s7 =	simm.s32 $_size__tile_overlayer_lowered;
	s8 =	simm.s32 $_tile_overlayer_lowered  }
0x9d: {  	s23 =	simm.s32 $0x1BFF;
	s22 =	sshll.u32 s8, $0x1;
	s5 =	sadd.s32 s6, s20  }
0x9e: {  	s9 =	simm.s32 $0x0;
	s21 =	sshll.u32 s7, $0x1;
	s7 =	sadd.s32 s22, s5  }
0x9f: {  	[timem:s9], [sflag:s23] =	dma.local [hbm:s7], s21  }
0xa0: {  	_ =	swait.ge [sflag:s23], s21  }
0xa1: {  	s6 =	ssub.s32 $0x0, s21;
	[sflag:s23] =	ssyncset.done $0x0  }
0xa2: {  	[sflag:s23] =	ssyncadd.s32 s6;
	_ =	sdelay $0x1  }
0xa3: {  	s24 =	simm.s32 $0x1B8B  }
0xa4: {  	_ =	swait.ge [sflag:s24], $0x1  }
0xa5: {  	[sflag:s24] =	ssyncset.done $0x0  }
0xa6: {  	s25 =	simm.s32 $0x1B8E;
	[sflag:s24] =	ssyncadd.s32 $0xFFFFFFFF  }
0xa7: {  	s26 =	simm.s32 $execute0_lowered;
	[smem:$0x3FD2] =	sst s25  }
0xa8: {  	s6 =	sshll.u32 s26, $0x1;
	_ =	strace $0x80000046;
	[dreg:$0x1] =	wrdreg $0xFFFFFFFF  }
0xa9: {  	s28 =	simm.s32 $_size_execute0_lowered;
	s5 =	sadd.s32 s5, s6;
	[dreg:$0x0] =	wrdreg $0x0  }
0xaa: {  	s6 =	sshll.u32 s28, $0x1;
	[dreg:$0x2] =	wrdreg s5  }
0xab: {  	[dreg:$0x3] =	wrdreg s6  }
0xac: {  	[dreg:$0x4] =	wrdreg $0xC0  }
0xad: {  	_ =	task [dreg:s9], $0x5FFFF  }
0xae: {  	[dreg:$0x1] =	wrdreg $0xFFFFFFFF  }
0xaf: {  	[dreg:$0x0] =	wrdreg $0x60  }
0xb0: {  	[dreg:$0x2] =	wrdreg s2  }
0xb1: {  	[dreg:$0x3] =	wrdreg s19  }
0xb2: {  	[dreg:$0x4] =	wrdreg s4  }
0xb3: {  	[dreg:$0x5] =	wrdreg $0x9  }
0xb4: {  	_ =	task.clear_ibuf [dreg:s9], $0x6FFFF;
	_ =	strace $0x90000046  }
0xb5: {  	s29 =	simm.s32 $0x9;
	_ =	strace $0x80000048  }
0xb6: {  	_ =	swait.ge [sflag:s29], $0x1  }
0xb7: {  	[sflag:s29] =	ssyncadd.s32 $0xFFFFFFFF  }
0xb8: {  	_ =	strace $0x90000048  }
0xb9: {  	_ =	sfence  }
0xba: {  	s30 =	sld [smem:$0x0];
	_ =	sdelay $0x2  }
0xbb: {  	s31 =	sshll.u32 s1, $0xD;
	s1 =	sshrl.u32 s1, $0x2  }
0xbc: {  	s3 =	sand.u32 $0x4000, s31;
	s1 =	sadd.s32 s1, s30  }
0xbd: {  	s0 =	sor.u32 s3, s0;
	s1 =	sshll.u32 s1, $0x11  }
0xbe: {  	s0 =	sor.u32 s1, s0  }
0xbf: {  	s0 =	sadd.s32 $0x8F2B, s0  }
0xc0: {  	[sflag:s0] =	ssyncadd.remote.s32 $0x1  }
0xc1: {  	_ =	sfence.sel $0xFFFF  }
0xc2: {  	[dreg:$0x0] =	wrdreg $0xFFFFFFFF;
	(pc) =	sbr.abs _section_cstart, $3  }
0xc3: {  	[dreg:$0x1] =	wrdreg $0xFFFFFFFF  }
0xc4: {  	_ =	task.clear_ibuf [dreg:s9], $0x2FFFF;
	_ =	strace $0x9FFFFFFF  }
0xc5: {  	(tm) =	ssettm $0x7FFFFFFF  }
tec
execute0_lowered:
.L_overlay_start_1:
0x0: {  	(tag) =	ssettag $0x1  }
0x1: {  	vm0 =	vmmov $0x1;
	v0 =	vimm.s32 $0x1380;
	vm7 =	vcmask $0x300  }
0x2: {  	vm1 =	vcmask $0x704;
	vm2 =	vcmask $0x70C;
	vm10 =	vcmask $0xB08  }
0x3: {  	vm3 =	vcmask $0xB10;
	vm13 =	vcmask $0xF0C;
	vm4 =	vcmask $0xF14  }
0x4: {  	vm11 =	vcmask $0x1310;
	vm5 =	vcmask $0x1318;
	vm12 =	vcmask $0x1714  }
0x5: {  	vm6 =	vcmask $0x171C;
	vm9 =	vcmask $0x1B18;
	v2 =	vimm.s32 $0x1FF8  }
0x6: {  	vm8 =	vcmask $0x1F1C;
	v4 =	vimm.s32 $0x1FF9;
	v5 =	vimm.s32 $0x3FF9  }
0x7: {  	v7 =	vimm.s32 $0x3FFA;
	v8 =	vimm.s32 $0x1FFB;
	v10 =	vimm.s32 $0x1FFC  }
0x8: {  	v11 =	vimm.s32 $0x3FFC;
	v13 =	vimm.s32 $0x3FFD;
	v14 =	vimm.s32 $0x1FFE  }
0x9: {  	v16 =	vimm.s32 $0x1FFF;
	v17 =	vimm.s32 $0x3FFF;
	vm15 =	vcmask $0x2B28  }
0xa: {  	vm14 =	vcmask $0x3B38;
	v0 =	vsel vm7, $0x0, v0;
	v2 =	vsel vm7, $0xC78, v2  }
0xb: {  	v4 =	vsel vm7, $0xC79, v4;
	v5 =	vsel vm7, $0x2C79, v5;
	v7 =	vsel vm7, $0x2C7A, v7  }
0xc: {  	v8 =	vsel vm7, $0xC7B, v8;
	v10 =	vsel vm7, $0xC7C, v10;
	v11 =	vsel vm7, $0x2C7C, v11  }
0xd: {  	v13 =	vsel vm7, $0x2C7D, v13;
	v14 =	vsel vm7, $0xC7E, v14;
	v16 =	vsel vm7, $0xC7F, v16  }
0xe: {  	v17 =	vsel vm7, $0x2C7F, v17;
	v0 =	vsel vm1, $0x80, v0;
	v2 =	vsel vm1, $0xCF8, v2  }
0xf: {  	v4 =	vsel vm1, $0xCF9, v4;
	v5 =	vsel vm1, $0x2CF9, v5;
	v7 =	vsel vm1, $0x2CFA, v7  }
0x10: {  	v8 =	vsel vm1, $0xCFB, v8;
	v10 =	vsel vm1, $0xCFC, v10;
	v11 =	vsel vm1, $0x2CFC, v11  }
0x11: {  	v13 =	vsel vm1, $0x2CFD, v13;
	v14 =	vsel vm1, $0xCFE, v14;
	v16 =	vsel vm1, $0xCFF, v16  }
0x12: {  	v17 =	vsel vm1, $0x2CFF, v17;
	v0 =	vsel vm10, $0x100, v0;
	v20 =	vsel vm10, $0xD78, v2  }
0x13: {  	v4 =	vsel vm10, $0xD79, v4;
	v5 =	vsel vm10, $0x2D79, v5;
	v7 =	vsel vm10, $0x2D7A, v7  }
0x14: {  	v8 =	vsel vm10, $0xD7B, v8;
	v10 =	vsel vm10, $0xD7C, v10;
	v11 =	vsel vm10, $0x2D7C, v11  }
0x15: {  	v13 =	vsel vm10, $0x2D7D, v13;
	v14 =	vsel vm10, $0xD7E, v14;
	v16 =	vsel vm10, $0xD7F, v16  }
0x16: {  	v17 =	vsel vm10, $0x2D7F, v17;
	v0 =	vsel vm13, $0x180, v0;
	v20 =	vsel vm13, $0xDF8, v20  }
0x17: {  	v4 =	vsel vm13, $0xDF9, v4;
	v5 =	vsel vm13, $0x2DF9, v5;
	v7 =	vsel vm13, $0x2DFA, v7  }
0x18: {  	v8 =	vsel vm13, $0xDFB, v8;
	v10 =	vsel vm13, $0xDFC, v10;
	v11 =	vsel vm13, $0x2DFC, v11  }
0x19: {  	v13 =	vsel vm13, $0x2DFD, v13;
	v14 =	vsel vm13, $0xDFE, v14;
	v16 =	vsel vm13, $0xDFF, v16  }
0x1a: {  	v17 =	vsel vm13, $0x2DFF, v17;
	v0 =	vsel vm11, $0x200, v0;
	v20 =	vsel vm11, $0xE78, v20  }
0x1b: {  	v4 =	vsel vm11, $0xE79, v4;
	v5 =	vsel vm11, $0x2E79, v5;
	v7 =	vsel vm11, $0x2E7A, v7  }
0x1c: {  	v8 =	vsel vm11, $0xE7B, v8;
	v10 =	vsel vm11, $0xE7C, v10;
	v11 =	vsel vm11, $0x2E7C, v11  }
0x1d: {  	v13 =	vsel vm11, $0x2E7D, v13;
	v14 =	vsel vm11, $0xE7E, v14;
	v16 =	vsel vm11, $0xE7F, v16  }
0x1e: {  	v17 =	vsel vm11, $0x2E7F, v17;
	v0 =	vsel vm12, $0x280, v0;
	v20 =	vsel vm12, $0xEF8, v20  }
0x1f: {  	v4 =	vsel vm12, $0xEF9, v4;
	v5 =	vsel vm12, $0x2EF9, v5;
	v7 =	vsel vm12, $0x2EFA, v7  }
0x20: {  	v8 =	vsel vm12, $0xEFB, v8;
	v10 =	vsel vm12, $0xEFC, v10;
	v11 =	vsel vm12, $0x2EFC, v11  }
0x21: {  	v13 =	vsel vm12, $0x2EFD, v13;
	v14 =	vsel vm12, $0xEFE, v14;
	v16 =	vsel vm12, $0xEFF, v16  }
0x22: {  	v17 =	vsel vm12, $0x2EFF, v17;
	v1 =	vsel vm9, $0x300, v0;
	v0 =	vimm.s32 $0x3380  }
0x23: {  	v20 =	vsel vm9, $0xF78, v20;
	v4 =	vsel vm9, $0xF79, v4;
	v5 =	vsel vm9, $0x2F79, v5  }
0x24: {  	v7 =	vsel vm9, $0x2F7A, v7;
	v8 =	vsel vm9, $0xF7B, v8;
	v10 =	vsel vm9, $0xF7C, v10  }
0x25: {  	v11 =	vsel vm9, $0x2F7C, v11;
	v13 =	vsel vm9, $0x2F7D, v13;
	v14 =	vsel vm9, $0xF7E, v14  }
0x26: {  	v16 =	vsel vm9, $0xF7F, v16;
	v17 =	vsel vm9, $0x2F7F, v17;
	v3 =	vsel vm7, $0x2000, v0  }
0x27: {  	v0 =	vimm.s32 $0x3FF8;
	v19 =	vsel vm8, $0x380, v1;
	v20 =	vsel vm8, $0xFF8, v20  }
0x28: {  	v21 =	vsel vm8, $0xFF9, v4;
	v5 =	vsel vm8, $0x2FF9, v5;
	v7 =	vsel vm8, $0x2FFA, v7  }
0x29: {  	v8 =	vsel vm8, $0xFFB, v8;
	v10 =	vsel vm8, $0xFFC, v10;
	v11 =	vsel vm8, $0x2FFC, v11  }
0x2a: {  	v13 =	vsel vm8, $0x2FFD, v13;
	v14 =	vsel vm8, $0xFFE, v14;
	v16 =	vsel vm8, $0xFFF, v16  }
0x2b: {  	v17 =	vsel vm8, $0x2FFF, v17;
	v6 =	vsel vm7, $0x2C78, v0;
	v0 =	vimm.s32 $0x1FFA  }
0x2c: {  	v3 =	vsel vm1, $0x2080, v3;
	v9 =	vsel vm7, $0xC7A, v0;
	v0 =	vimm.s32 $0x3FFB  }
0x2d: {  	v6 =	vsel vm1, $0x2CF8, v6;
	v3 =	vsel vm10, $0x2100, v3;
	v12 =	vsel vm7, $0x2C7B, v0  }
0x2e: {  	v0 =	vimm.s32 $0x1FFD;
	v9 =	vsel vm1, $0xCFA, v9;
	v6 =	vsel vm10, $0x2D78, v6  }
0x2f: {  	v3 =	vsel vm13, $0x2180, v3;
	v15 =	vsel vm7, $0xC7D, v0;
	v0 =	vimm.s32 $0x3FFE  }
0x30: {  	v12 =	vsel vm1, $0x2CFB, v12;
	v9 =	vsel vm10, $0xD7A, v9;
	v3 =	vsel vm11, $0x2200, v3  }
0x31: {  	v6 =	vsel vm13, $0x2DF8, v6;
	v18 =	vsel vm7, $0x2C7E, v0;
	vm7 =	vcmask $0x1B20  }
0x32: {  	v0 =	vlaneseq.u32;
	v15 =	vsel vm1, $0xCFD, v15;
	v12 =	vsel vm10, $0x2D7B, v12  }
0x33: {  	v9 =	vsel vm13, $0xDFA, v9;
	v3 =	vsel vm12, $0x2280, v3;
	v6 =	vsel vm11, $0x2E78, v6  }
0x34: {  	v18 =	vsel vm1, $0x2CFE, v18;
	vm1 =	vcmask $0x2320;
	v1 =	vmul.u32 $0x80, v0  }
0x35: {  	v15 =	vsel vm10, $0xD7D, v15;
	v12 =	vsel vm13, $0x2DFB, v12;
	v3 =	vsel vm9, $0x2300, v3  }
0x36: {  	v9 =	vsel vm11, $0xE7A, v9;
	v6 =	vsel vm12, $0x2EF8, v6;
	v19 =	vsel vm1, $0x1000, v19  }
0x37: {  	v18 =	vsel vm10, $0x2D7E, v18;
	vm10 =	vcmask $0x2724;
	v15 =	vsel vm13, $0xDFD, v15  }
0x38: {  	v12 =	vsel vm11, $0x2E7B, v12;
	v3 =	vsel vm8, $0x2380, v3;
	v9 =	vsel vm12, $0xEFA, v9  }
0x39: {  	v20 =	vsel vm1, $0x1C78, v20;
	v6 =	vsel vm9, $0x2F78, v6;
	v7 =	vsel vm1, $0x3C7A, v7  }
0x3a: {  	v8 =	vsel vm1, $0x1C7B, v8;
	v10 =	vsel vm1, $0x1C7C, v10;
	v11 =	vsel vm1, $0x3C7C, v11  }
0x3b: {  	v13 =	vsel vm1, $0x3C7D, v13;
	v14 =	vsel vm1, $0x1C7E, v14;
	v16 =	vsel vm1, $0x1C7F, v16  }
0x3c: {  	v17 =	vsel vm1, $0x3C7F, v17;
	v2 =	vor.u32 $0x800, v1;
	v19 =	vsel vm10, $0x1080, v19  }
0x3d: {  	v18 =	vsel vm13, $0x2DFE, v18;
	v15 =	vsel vm11, $0xE7D, v15;
	v3 =	vsel vm1, $0x3000, v3  }
0x3e: {  	v12 =	vsel vm12, $0x2EFB, v12;
	v9 =	vsel vm9, $0xF7A, v9;
	vm13 =	vcmask $0x3734  }
0x3f: {  	v20 =	vsel vm10, $0x1CF8, v20;
	v6 =	vsel vm8, $0x2FF8, v6;
	v22 =	vsel vm10, $0x1CFB, v8  }
0x40: {  	v10 =	vsel vm10, $0x1CFC, v10;
	v11 =	vsel vm10, $0x3CFC, v11;
	v13 =	vsel vm10, $0x3CFD, v13  }
0x41: {  	v14 =	vsel vm10, $0x1CFE, v14;
	v16 =	vsel vm10, $0x1CFF, v16;
	v17 =	vsel vm10, $0x3CFF, v17  }
0x42: {  	v19 =	vsel vm15, $0x1100, v19;
	v18 =	vsel vm11, $0x2E7E, v18;
	vm11 =	vcmask $0x2F2C  }
0x43: {  	v15 =	vsel vm12, $0xEFD, v15;
	v3 =	vsel vm10, $0x3080, v3;
	v12 =	vsel vm9, $0x2F7B, v12  }
0x44: {  	v20 =	vsel vm15, $0x1D78, v20;
	v9 =	vsel vm8, $0xFFA, v9;
	v6 =	vsel vm1, $0x3C78, v6  }
0x45: {  	v11 =	vsel vm15, $0x3D7C, v11;
	v13 =	vsel vm15, $0x3D7D, v13;
	v14 =	vsel vm15, $0x1D7E, v14  }
0x46: {  	v16 =	vsel vm15, $0x1D7F, v16;
	v17 =	vsel vm15, $0x3D7F, v17;
	v19 =	vsel vm11, $0x1180, v19  }
0x47: {  	v18 =	vsel vm12, $0x2EFE, v18;
	vm12 =	vcmask $0x3330;
	v3 =	vsel vm15, $0x3100, v3  }
0x48: {  	v15 =	vsel vm9, $0xF7D, v15;
	v12 =	vsel vm8, $0x2FFB, v12;
	v20 =	vsel vm11, $0x1DF8, v20  }
0x49: {  	v9 =	vsel vm1, $0x1C7A, v9;
	v6 =	vsel vm10, $0x3CF8, v6;
	v13 =	vsel vm11, $0x3DFD, v13  }
0x4a: {  	v14 =	vsel vm11, $0x1DFE, v14;
	v16 =	vsel vm11, $0x1DFF, v16;
	v17 =	vsel vm11, $0x3DFF, v17  }
0x4b: {  	v19 =	vsel vm12, $0x1200, v19;
	v18 =	vsel vm9, $0x2F7E, v18;
	v3 =	vsel vm11, $0x3180, v3  }
0x4c: {  	v15 =	vsel vm8, $0xFFD, v15;
	v12 =	vsel vm1, $0x3C7B, v12;
	v6 =	vsel vm15, $0x3D78, v6  }
0x4d: {  	v9 =	vsel vm10, $0x1CFA, v9;
	vm9 =	vcmask $0x2328;
	v16 =	vsel vm12, $0x1E7F, v16  }
0x4e: {  	v17 =	vsel vm12, $0x3E7F, v17;
	v19 =	vsel vm13, $0x1280, v19;
	v3 =	vsel vm12, $0x3200, v3  }
0x4f: {  	v18 =	vsel vm8, $0x2FFE, v18;
	v15 =	vsel vm1, $0x1C7D, v15;
	vm8 =	vcmask $0x1F24  }
0x50: {  	v6 =	vsel vm11, $0x3DF8, v6;
	v12 =	vsel vm10, $0x3CFB, v12;
	v9 =	vsel vm15, $0x1D7A, v9  }
0x51: {  	v4 =	vsel vm13, $0x3280, v3;
	v3 =	vsel vm14, $0x1300, v19;
	v19 =	vsel vm12, $0x1E78, v20  }
0x52: {  	v20 =	vsel vm1, $0x1C79, v21;
	v21 =	vsel vm1, $0x3C79, v5;
	v18 =	vsel vm1, $0x3C7E, v18  }
0x53: {  	v6 =	vsel vm12, $0x3E78, v6;
	v15 =	vsel vm10, $0x1CFD, v15;
	v9 =	vsel vm11, $0x1DFA, v9  }
0x54: {  	v12 =	vsel vm15, $0x3D7B, v12;
	v4 =	vsel vm14, $0x3300, v4;
	v5 =	vsel vm13, $0x1EF8, v19  }
0x55: {  	v19 =	vsel vm10, $0x1CF9, v20;
	v20 =	vsel vm10, $0x3CF9, v21;
	v6 =	vsel vm13, $0x3EF8, v6  }
0x56: {  	v21 =	vsel vm10, $0x3CFA, v7;
	v18 =	vsel vm10, $0x3CFE, v18;
	v15 =	vsel vm15, $0x1D7D, v15  }
0x57: {  	vm10 =	vcmask $0x272C;
	v9 =	vsel vm12, $0x1E7A, v9;
	v12 =	vsel vm11, $0x3DFB, v12  }
0x58: {  	v5 =	vsel vm14, $0x1F78, v5;
	v19 =	vsel vm15, $0x1D79, v19;
	v20 =	vsel vm15, $0x3D79, v20  }
0x59: {  	v6 =	vsel vm14, $0x3F78, v6;
	v18 =	vsel vm15, $0x3D7E, v18;
	v9 =	vsel vm13, $0x1EFA, v9  }
0x5a: {  	v15 =	vsel vm11, $0x1DFD, v15;
	v12 =	vsel vm12, $0x3E7B, v12;
	v19 =	vsel vm11, $0x1DF9, v19  }
0x5b: {  	v20 =	vsel vm11, $0x3DF9, v20;
	v9 =	vsel vm14, $0x1F7A, v9;
	v18 =	vsel vm11, $0x3DFE, v18  }
0x5c: {  	s1 =	rddreg [dreg:$0x0];
	v12 =	vsel vm13, $0x3EFB, v12;
	v15 =	vsel vm12, $0x1E7D, v15;
	v19 =	vsel vm12, $0x1E79, v19  }
0x5d: {  	s0 =	rddreg [dreg:$0x1];
	v20 =	vsel vm12, $0x3E79, v20;
	v12 =	vsel vm14, $0x3F7B, v12;
	v18 =	vsel vm12, $0x3E7E, v18  }
0x5e: {  	s2 =	rddreg [dreg:$0x2];
	v15 =	vsel vm13, $0x1EFD, v15;
	v19 =	vsel vm13, $0x1EF9, v19;
	v8 =	vsel vm13, $0x3EF9, v20  }
0x5f: {  	s3 =	srdreg.scid;
	s5 =	stileid.u32;
	v20 =	vsel vm15, $0x1D7B, v22;
	v22 =	vsel vm12, $0x1E7E, v14;
	v18 =	vsel vm13, $0x3EFE, v18  }
0x60: {  	s28 =	simm.s32 $0x0;
	s8 =	simm.s32 $0x7A1400;
	s9 =	simm.s32 $0x400;
	v15 =	vsel vm14, $0x1F7D, v15;
	v7 =	vsel vm14, $0x1F79, v19;
	v19 =	vsel vm15, $0x3D7A, v21  }
0x61: {  	s10 =	simm.s32 $0x4200;
	s11 =	simm.s32 $0x5200;
	s12 =	simm.s32 $0x6200;
	v8 =	vsel vm14, $0x3F79, v8;
	v21 =	vsel vm15, $0x1D7C, v10;
	v19 =	vsel vm11, $0x3DFA, v19  }
0x62: {  	s13 =	simm.s32 $0x7200;
	s14 =	simm.s32 $0x8200;
	s15 =	simm.s32 $0x9200;
	vm15 =	vcmask $0x308;
	v18 =	vsel vm14, $0x3F7E, v18;
	v10 =	vsel vm12, $0x3E7A, v19  }
0x63: {  	s16 =	simm.s32 $0xA200;
	s17 =	simm.s32 $0xB200;
	s18 =	simm.s32 $0x1;
	v19 =	vsel vm11, $0x1DFB, v20;
	v20 =	vsel vm11, $0x1DFC, v21;
	v21 =	vsel vm11, $0x3DFC, v11  }
0x64: {  	s19 =	simm.s32 $0x200;
	s20 =	simm.s32 $0x2;
	s21 =	simm.s32 $0x3;
	vm11 =	vcmask $0x2B30;
	v10 =	vsel vm13, $0x3EFA, v10;
	v19 =	vsel vm12, $0x1E7B, v19  }
0x65: {  	s22 =	simm.s32 $0x4;
	s23 =	simm.s32 $0x5;
	s24 =	simm.s32 $0x6;
	v10 =	vsel vm14, $0x3F7A, v10;
	v11 =	vsel vm13, $0x1EFB, v19;
	v19 =	vsel vm12, $0x1E7C, v20  }
0x66: {  	s25 =	simm.s32 $0x7;
	s26 =	simm.s32 $0x8;
	s29 =	simm.s32 $0x20000;
	v20 =	vsel vm12, $0x3E7C, v21;
	v21 =	vsel vm12, $0x3E7D, v13;
	vm12 =	vcmask $0x2F34  }
0x67: {  	s30 =	simm.s32 $0x0;
	s4 =	sand.u32 $0x1, s3;
	s5 =	sshll.u32 s5, $0xA;
	v11 =	vsel vm14, $0x1F7B, v11;
	v19 =	vsel vm13, $0x1EFC, v19;
	v14 =	vsel vm13, $0x3EFC, v20  }
0x68: {  	[smem:$0x7FF] =	sst s28;
	s6 =	sshll.u32 s4, $0x9;
	s4 =	ssub.s32 $0x2, s4;
	v20 =	vsel vm13, $0x1EFE, v22;
	v22 =	vsel vm13, $0x3EFF, v17;
	v13 =	vsel vm14, $0x1F7C, v19  }
0x69: {  	_ =	strace $0x80000047;
	s5 =	sor.u32 s6, s5;
	s31 =	sshrl.u32 s4, $0x1;
	v14 =	vsel vm14, $0x3F7C, v14;
	v19 =	vsel vm13, $0x3EFD, v21;
	v21 =	vsel vm13, $0x1EFF, v16  }
0x6a: {  	s7 =	sshrl.u32 s5, $0x3;
	s6 =	ssub.s32 s4, s31;
	s5 =	sadd.s32 s2, s5;
	vm13 =	vcmask $0x3338;
	v17 =	vsel vm14, $0x1F7E, v20;
	v20 =	vsel vm14, $0x3F7F, v22  }
0x6b: {  	s4 =	sadd.s32 s1, s7;
	s6 =	smax.u32 s6, $0x1;
	s7 =	simm.s32 $0x9;
	v16 =	vsel vm14, $0x3F7D, v19;
	v19 =	vsel vm14, $0x1F7F, v21;
	vm14 =	vcmask $0x373C  }
.LBB2_1:
0x6c: {  	s1 =	simm.s32 $0x0  }
0x6d: {  	[tilespmem:s1], [sflag:$0x9] =	stream.linear.gather [hbm4b:s4+s1], $0x200, $0x38;
	[tilespmem:$0xC200] =	vst v63  }
0x6e: {  	_ =	swait.ge [sflag:s7], $0x200  }
0x6f: {  	[sflag:s7] =	ssyncset.done $0x0  }
0x70: {  	[sflag:s7] =	ssyncadd.s32 $0xFFFFFE00  }
0x71: {  	v21 =	vld [tilespmem:$0x0];
	_ =	sdelay $0x4  }
0x72: {  	v21 =	vnsel vm0, $0x0, v21  }
0x73: {  	v21 =	vxor.u32 $0x80000000, v21  }
0x74: {  	(xrf0) =	vmax.scan.msk.u32 $0xffff, v21;
	_ =	sdelay $0x5  }
0x75: {  	v21, _, _ =	vpop (xrf0)  }
0x76: {  	(v2sf) =	vpush v21, $0xF;
	_ =	sdelay $0xe  }
0x77: {  	s3 =	spop (v2sf)  }
0x78: {  	s1 =	sand.u32 $0x1FFFFF80, s3  }
0x79: {  	s1 =	sadd.s32 s0, s1  }
0x7a: {  	[tilespmem:s10], [sflag:$0x1] =	stream.strided.gather [hbm4b:s1+s9], $0x1000, s8, s9, $0x38;
	[tilespmem:$0xC200] =	vst v63  }
0x7b: {  	v21 =	vld [tilespmem:$0x0];
	_ =	sdelay $0x4  }
0x7c: {  	v21 =	vsel vm15, $0x0, v21  }
0x7d: {  	v21 =	vxor.u32 $0x80000000, v21  }
0x7e: {  	(xrf0) =	vmax.scan.msk.u32 $0xffff, v21;
	_ =	sdelay $0x5  }
0x7f: {  	v21, _, _ =	vpop (xrf0)  }
0x80: {  	(v2sf) =	vpush v21, $0xF;
	_ =	sdelay $0xe  }
0x81: {  	s28 =	spop (v2sf)  }
0x82: {  	s1 =	sand.u32 $0x1FFFFF80, s28  }
0x83: {  	s1 =	sadd.s32 s0, s1  }
0x84: {  	[tilespmem:s11], [sflag:$0x2] =	stream.strided.gather [hbm4b:s1+s9], $0x1000, s8, s9, $0x38;
	[tilespmem:$0xC200] =	vst v63  }
0x85: {  	v21 =	vld [tilespmem:$0x0];
	_ =	sdelay $0x4  }
0x86: {  	v21 =	vsel vm2, $0x0, v21  }
0x87: {  	v21 =	vxor.u32 $0x80000000, v21  }
0x88: {  	(xrf0) =	vmax.scan.msk.u32 $0xffff, v21;
	_ =	sdelay $0x5  }
0x89: {  	v21, _, _ =	vpop (xrf0)  }
0x8a: {  	(v2sf) =	vpush v21, $0xF;
	_ =	sdelay $0xe  }
0x8b: {  	s2 =	spop (v2sf)  }
0x8c: {  	s1 =	sand.u32 $0x1FFFFF80, s2  }
0x8d: {  	s1 =	sadd.s32 s0, s1  }
0x8e: {  	[tilespmem:s12], [sflag:$0x3] =	stream.strided.gather [hbm4b:s1+s9], $0x1000, s8, s9, $0x38;
	[tilespmem:$0xC200] =	vst v63  }
0x8f: {  	v21 =	vld [tilespmem:$0x0];
	_ =	sdelay $0x4  }
0x90: {  	v21 =	vsel vm3, $0x0, v21  }
0x91: {  	v21 =	vxor.u32 $0x80000000, v21  }
0x92: {  	(xrf0) =	vmax.scan.msk.u32 $0xffff, v21;
	_ =	sdelay $0x5  }
0x93: {  	v21, _, _ =	vpop (xrf0)  }
0x94: {  	(v2sf) =	vpush v21, $0xF;
	_ =	sdelay $0xe  }
0x95: {  	s3 =	spop (v2sf)  }
0x96: {  	s1 =	sand.u32 $0x1FFFFF80, s3  }
0x97: {  	s1 =	sadd.s32 s0, s1  }
0x98: {  	[tilespmem:s13], [sflag:$0x4] =	stream.strided.gather [hbm4b:s1+s9], $0x1000, s8, s9, $0x38;
	[tilespmem:$0xC200] =	vst v63  }
0x99: {  	v21 =	vld [tilespmem:$0x0];
	_ =	sdelay $0x4  }
0x9a: {  	v21 =	vsel vm4, $0x0, v21  }
0x9b: {  	v21 =	vxor.u32 $0x80000000, v21  }
0x9c: {  	(xrf0) =	vmax.scan.msk.u32 $0xffff, v21;
	_ =	sdelay $0x5  }
0x9d: {  	v21, _, _ =	vpop (xrf0)  }
0x9e: {  	(v2sf) =	vpush v21, $0xF;
	_ =	sdelay $0xe  }
0x9f: {  	s28 =	spop (v2sf)  }
0xa0: {  	s1 =	sand.u32 $0x1FFFFF80, s28  }
0xa1: {  	s1 =	sadd.s32 s0, s1  }
0xa2: {  	[tilespmem:s14], [sflag:$0x5] =	stream.strided.gather [hbm4b:s1+s9], $0x1000, s8, s9, $0x38;
	[tilespmem:$0xC200] =	vst v63  }
0xa3: {  	v21 =	vld [tilespmem:$0x0];
	_ =	sdelay $0x4  }
0xa4: {  	v21 =	vsel vm5, $0x0, v21  }
0xa5: {  	v21 =	vxor.u32 $0x80000000, v21  }
0xa6: {  	(xrf0) =	vmax.scan.msk.u32 $0xffff, v21;
	_ =	sdelay $0x5  }
0xa7: {  	v21, _, _ =	vpop (xrf0)  }
0xa8: {  	(v2sf) =	vpush v21, $0xF;
	_ =	sdelay $0xe  }
0xa9: {  	s2 =	spop (v2sf)  }
0xaa: {  	s1 =	sand.u32 $0x1FFFFF80, s2  }
0xab: {  	s1 =	sadd.s32 s0, s1  }
0xac: {  	[tilespmem:s15], [sflag:$0x6] =	stream.strided.gather [hbm4b:s1+s9], $0x1000, s8, s9, $0x38;
	[tilespmem:$0xC200] =	vst v63  }
0xad: {  	v21 =	vld [tilespmem:$0x0];
	_ =	sdelay $0x4  }
0xae: {  	v21 =	vsel vm6, $0x0, v21  }
0xaf: {  	v21 =	vxor.u32 $0x80000000, v21  }
0xb0: {  	(xrf0) =	vmax.scan.msk.u32 $0xffff, v21;
	_ =	sdelay $0x5  }
0xb1: {  	v21, _, _ =	vpop (xrf0)  }
0xb2: {  	(v2sf) =	vpush v21, $0xF;
	_ =	sdelay $0xe  }
0xb3: {  	s3 =	spop (v2sf)  }
0xb4: {  	s1 =	sand.u32 $0x1FFFFF80, s3  }
0xb5: {  	s1 =	sadd.s32 s0, s1  }
0xb6: {  	[tilespmem:s16], [sflag:$0x7] =	stream.strided.gather [hbm4b:s1+s9], $0x1000, s8, s9, $0x38;
	[tilespmem:$0xC200] =	vst v63  }
0xb7: {  	v21 =	vld [tilespmem:$0x0];
	_ =	sdelay $0x4  }
0xb8: {  	v21 =	vsel vm7, $0x0, v21  }
0xb9: {  	v21 =	vxor.u32 $0x80000000, v21  }
0xba: {  	(xrf0) =	vmax.scan.msk.u32 $0xffff, v21;
	_ =	sdelay $0x5  }
0xbb: {  	v21, _, _ =	vpop (xrf0)  }
0xbc: {  	(v2sf) =	vpush v21, $0xF;
	_ =	sdelay $0xe  }
0xbd: {  	s28 =	spop (v2sf)  }
0xbe: {  	s1 =	sand.u32 $0x1FFFFF80, s28  }
0xbf: {  	s31 =	simm.s32 $0x0;
	s1 =	sadd.s32 s0, s1  }
0xc0: {  	[tilespmem:s17], [sflag:$0x8] =	stream.strided.gather [hbm4b:s1+s9], $0x1000, s8, s9, $0x38;
	[tilespmem:$0xC200] =	vst v63  }
.LBB2_2:
0xc1: {  	_ =	swait.ge [sflag:s18], $0x1000  }
0xc2: {  	[sflag:s18] =	ssyncset.done $0x0  }
0xc3: {  	s2 =	sand.u32 $0x1F0, s31;
	[sflag:s18] =	ssyncadd.s32 $0xFFFFF000  }
0xc4: {  	v21 =	vld [tilespmem:s2+$0x0];
	_ =	sdelay $0x2  }
0xc5: {  	s1 =	sand.u32 $0x8, s31  }
0xc6: {  	v22 =	vmov s1  }
0xc7: {  	vm1 =	veq.s32 v22, v0;
	v21 =	vxor.u32 $0x80000000, v21  }
0xc8: {  	v21 =	vnsel vm1, $0x80000000, v21  }
0xc9: {  	(xrf0) =	vmax.scan.msk.u32 $0xffff, v21;
	_ =	sdelay $0x5  }
0xca: {  	v21, _, _ =	vpop (xrf0)  }
0xcb: {  	(v2sf) =	vpush v21, $0xF;
	_ =	sdelay $0xe  }
0xcc: {  	s3 =	spop (v2sf)  }
0xcd: {  	s1 =	sand.u32 $0x7F, s3  }
0xce: {  	v21 =	vor.u32 s1, v1  }
0xcf: {  	v22 =	vmov s31;
	v23 =	vor.u32 s1, v2  }
0xd0: {  	v24 =	vshll.u32 v22, $0x3  }
0xd1: {  	v22 =	vand.u32 $0x78, v22;
	v24 =	vand.u32 $0xC00, v24  }
0xd2: {  	v22 =	vor.u32 v22, v24  }
0xd3: {  	v24 =	vor.u32 v3, v22;
	v21 =	vld.idx.msk [tilespmem:v21+s10+$0x0], $0xffff  }
0xd4: {  	v22 =	vor.u32 v4, v22;
	v23 =	vld.idx.msk [tilespmem:v23+s10+$0x0], $0xffff;
	_ =	sdelay $0x3  }
0xd5: {  	s1 =	sadd.s32 $0x8, s31;
	[tilespmem:v24+s19+$0x0] =	vst.idx.msk $0xffff, v21  }
0xd6: {  	s3 =	sand.u32 $0x3F0, s1;
	[tilespmem:v22+s19+$0x0] =	vst.idx.msk $0xffff, v23  }
0xd7: {  	v21 =	vld [tilespmem:s3+$0x0];
	_ =	sdelay $0x2  }
0xd8: {  	s28 =	sand.u32 $0x8, s1  }
0xd9: {  	v22 =	vmov s28  }
0xda: {  	vm1 =	veq.s32 v22, v0;
	v21 =	vxor.u32 $0x80000000, v21  }
0xdb: {  	v21 =	vnsel vm1, $0x80000000, v21  }
0xdc: {  	(xrf0) =	vmax.scan.msk.u32 $0xffff, v21;
	_ =	sdelay $0x5  }
0xdd: {  	v21, _, _ =	vpop (xrf0)  }
0xde: {  	(v2sf) =	vpush v21, $0xF;
	_ =	sdelay $0xe  }
0xdf: {  	s28 =	spop (v2sf)  }
0xe0: {  	s3 =	sand.u32 $0x1FFFFF80, s28  }
0xe1: {  	s3 =	sadd.s32 s0, s3  }
0xe2: {  	[tilespmem:s10], [sflag:$0x1] =	stream.strided.gather [hbm4b:s3+s9], $0x1000, s8, s9, $0x38;
	[tilespmem:$0xC200] =	vst v63  }
0xe3: {  	_ =	swait.ge [sflag:s20], $0x1000  }
0xe4: {  	[sflag:s20] =	ssyncset.done $0x0  }
0xe5: {  	[sflag:s20] =	ssyncadd.s32 $0xFFFFF000  }
0xe6: {  	v21 =	vld [tilespmem:s2+$0x0];
	_ =	sdelay $0x1  }
0xe7: {  	s3 =	sadd.s32 $0x1, s31  }
0xe8: {  	s28 =	sand.u32 $0x9, s3  }
0xe9: {  	v22 =	vmov s28  }
0xea: {  	vm1 =	veq.s32 v22, v0;
	v21 =	vxor.u32 $0x80000000, v21  }
0xeb: {  	v21 =	vnsel vm1, $0x80000000, v21  }
0xec: {  	(xrf0) =	vmax.scan.msk.u32 $0xffff, v21;
	_ =	sdelay $0x5  }
0xed: {  	v21, _, _ =	vpop (xrf0)  }
0xee: {  	(v2sf) =	vpush v21, $0xF;
	_ =	sdelay $0xe  }
0xef: {  	s28 =	spop (v2sf)  }
0xf0: {  	s28 =	sand.u32 $0x7F, s28  }
0xf1: {  	v21 =	vor.u32 s28, v1  }
0xf2: {  	v22 =	vmov s3;
	v23 =	vor.u32 s28, v2  }
0xf3: {  	v57 =	vshll.u32 v22, $0x3  }
0xf4: {  	v22 =	vand.u32 $0x79, v22;
	v24 =	vand.u32 $0xC00, v57  }
0xf5: {  	v22 =	vor.u32 v22, v24  }
0xf6: {  	v24 =	vor.u32 v3, v22;
	v21 =	vld.idx.msk [tilespmem:v21+s11+$0x0], $0xffff  }
0xf7: {  	v22 =	vor.u32 v4, v22;
	v23 =	vld.idx.msk [tilespmem:v23+s11+$0x0], $0xffff;
	_ =	sdelay $0x3  }
0xf8: {  	s3 =	sadd.s32 $0x9, s31;
	[tilespmem:v24+s19+$0x0] =	vst.idx.msk $0xffff, v21  }
0xf9: {  	s28 =	sand.u32 $0x3F0, s3;
	[tilespmem:v22+s19+$0x0] =	vst.idx.msk $0xffff, v23  }
0xfa: {  	v21 =	vld [tilespmem:s28+$0x0];
	_ =	sdelay $0x2  }
0xfb: {  	s3 =	sand.u32 $0x9, s3  }
0xfc: {  	v22 =	vmov s3  }
0xfd: {  	vm1 =	veq.s32 v22, v0;
	v21 =	vxor.u32 $0x80000000, v21  }
0xfe: {  	v21 =	vnsel vm1, $0x80000000, v21  }
0xff: {  	(xrf0) =	vmax.scan.msk.u32 $0xffff, v21;
	_ =	sdelay $0x5  }
0x100: {  	v21, _, _ =	vpop (xrf0)  }
0x101: {  	(v2sf) =	vpush v21, $0xF;
	_ =	sdelay $0xe  }
0x102: {  	s28 =	spop (v2sf)  }
0x103: {  	s3 =	sand.u32 $0x1FFFFF80, s28  }
0x104: {  	s3 =	sadd.s32 s0, s3  }
0x105: {  	[tilespmem:s11], [sflag:$0x2] =	stream.strided.gather [hbm4b:s3+s9], $0x1000, s8, s9, $0x38;
	[tilespmem:$0xC200] =	vst v63  }
0x106: {  	_ =	swait.ge [sflag:s21], $0x1000  }
0x107: {  	[sflag:s21] =	ssyncset.done $0x0  }
0x108: {  	[sflag:s21] =	ssyncadd.s32 $0xFFFFF000  }
0x109: {  	v21 =	vld [tilespmem:s2+$0x0];
	_ =	sdelay $0x1  }
0x10a: {  	s3 =	sadd.s32 $0x2, s31  }
0x10b: {  	s28 =	sand.u32 $0xA, s3  }
0x10c: {  	v22 =	vmov s28  }
0x10d: {  	vm1 =	veq.s32 v22, v0;
	v21 =	vxor.u32 $0x80000000, v21  }
0x10e: {  	v21 =	vnsel vm1, $0x80000000, v21  }
0x10f: {  	(xrf0) =	vmax.scan.msk.u32 $0xffff, v21;
	_ =	sdelay $0x5  }
0x110: {  	v21, _, _ =	vpop (xrf0)  }
0x111: {  	(v2sf) =	vpush v21, $0xF;
	_ =	sdelay $0xe  }
0x112: {  	s28 =	spop (v2sf)  }
0x113: {  	s28 =	sand.u32 $0x7F, s28  }
0x114: {  	v21 =	vor.u32 s28, v1  }
0x115: {  	v22 =	vmov s3;
	v23 =	vor.u32 s28, v2  }
0x116: {  	v58 =	vshll.u32 v22, $0x3  }
0x117: {  	v22 =	vand.u32 $0x7A, v22;
	v24 =	vand.u32 $0xC00, v58  }
0x118: {  	v22 =	vor.u32 v22, v24  }
0x119: {  	v24 =	vor.u32 v3, v22;
	v21 =	vld.idx.msk [tilespmem:v21+s12+$0x0], $0xffff  }
0x11a: {  	v22 =	vor.u32 v4, v22;
	v23 =	vld.idx.msk [tilespmem:v23+s12+$0x0], $0xffff;
	_ =	sdelay $0x3  }
0x11b: {  	s3 =	sadd.s32 $0xA, s31;
	[tilespmem:v24+s19+$0x0] =	vst.idx.msk $0xffff, v21  }
0x11c: {  	s28 =	sand.u32 $0x3F0, s3;
	[tilespmem:v22+s19+$0x0] =	vst.idx.msk $0xffff, v23  }
0x11d: {  	v21 =	vld [tilespmem:s28+$0x0];
	_ =	sdelay $0x2  }
0x11e: {  	s3 =	sand.u32 $0xA, s3  }
0x11f: {  	v22 =	vmov s3  }
0x120: {  	vm1 =	veq.s32 v22, v0;
	v21 =	vxor.u32 $0x80000000, v21  }
0x121: {  	v21 =	vnsel vm1, $0x80000000, v21  }
0x122: {  	(xrf0) =	vmax.scan.msk.u32 $0xffff, v21;
	_ =	sdelay $0x5  }
0x123: {  	v21, _, _ =	vpop (xrf0)  }
0x124: {  	(v2sf) =	vpush v21, $0xF;
	_ =	sdelay $0xe  }
0x125: {  	s28 =	spop (v2sf)  }
0x126: {  	s3 =	sand.u32 $0x1FFFFF80, s28  }
0x127: {  	s3 =	sadd.s32 s0, s3  }
0x128: {  	[tilespmem:s12], [sflag:$0x3] =	stream.strided.gather [hbm4b:s3+s9], $0x1000, s8, s9, $0x38;
	[tilespmem:$0xC200] =	vst v63  }
0x129: {  	_ =	swait.ge [sflag:s22], $0x1000  }
0x12a: {  	[sflag:s22] =	ssyncset.done $0x0  }
0x12b: {  	[sflag:s22] =	ssyncadd.s32 $0xFFFFF000  }
0x12c: {  	v21 =	vld [tilespmem:s2+$0x0];
	_ =	sdelay $0x1  }
0x12d: {  	s3 =	sadd.s32 $0x3, s31  }
0x12e: {  	s28 =	sand.u32 $0xB, s3  }
0x12f: {  	v22 =	vmov s28  }
0x130: {  	vm1 =	veq.s32 v22, v0;
	v21 =	vxor.u32 $0x80000000, v21  }
0x131: {  	v21 =	vnsel vm1, $0x80000000, v21  }
0x132: {  	(xrf0) =	vmax.scan.msk.u32 $0xffff, v21;
	_ =	sdelay $0x5  }
0x133: {  	v21, _, _ =	vpop (xrf0)  }
0x134: {  	(v2sf) =	vpush v21, $0xF;
	_ =	sdelay $0xe  }
0x135: {  	s28 =	spop (v2sf)  }
0x136: {  	s28 =	sand.u32 $0x7F, s28  }
0x137: {  	v21 =	vor.u32 s28, v1  }
0x138: {  	v22 =	vmov s3;
	v23 =	vor.u32 s28, v2  }
0x139: {  	v59 =	vshll.u32 v22, $0x3  }
0x13a: {  	v22 =	vand.u32 $0x7B, v22;
	v24 =	vand.u32 $0xC00, v59  }
0x13b: {  	v22 =	vor.u32 v22, v24  }
0x13c: {  	v24 =	vor.u32 v3, v22;
	v21 =	vld.idx.msk [tilespmem:v21+s13+$0x0], $0xffff  }
0x13d: {  	v22 =	vor.u32 v4, v22;
	v23 =	vld.idx.msk [tilespmem:v23+s13+$0x0], $0xffff;
	_ =	sdelay $0x3  }
0x13e: {  	s3 =	sadd.s32 $0xB, s31;
	[tilespmem:v24+s19+$0x0] =	vst.idx.msk $0xffff, v21  }
0x13f: {  	s28 =	sand.u32 $0x3F0, s3;
	[tilespmem:v22+s19+$0x0] =	vst.idx.msk $0xffff, v23  }
0x140: {  	v21 =	vld [tilespmem:s28+$0x0];
	_ =	sdelay $0x2  }
0x141: {  	s3 =	sand.u32 $0xB, s3  }
0x142: {  	v22 =	vmov s3  }
0x143: {  	vm1 =	veq.s32 v22, v0;
	v21 =	vxor.u32 $0x80000000, v21  }
0x144: {  	v21 =	vnsel vm1, $0x80000000, v21  }
0x145: {  	(xrf0) =	vmax.scan.msk.u32 $0xffff, v21;
	_ =	sdelay $0x5  }
0x146: {  	v21, _, _ =	vpop (xrf0)  }
0x147: {  	(v2sf) =	vpush v21, $0xF;
	_ =	sdelay $0xe  }
0x148: {  	s28 =	spop (v2sf)  }
0x149: {  	s3 =	sand.u32 $0x1FFFFF80, s28  }
0x14a: {  	s3 =	sadd.s32 s0, s3  }
0x14b: {  	[tilespmem:s13], [sflag:$0x4] =	stream.strided.gather [hbm4b:s3+s9], $0x1000, s8, s9, $0x38;
	[tilespmem:$0xC200] =	vst v63  }
0x14c: {  	_ =	swait.ge [sflag:s23], $0x1000  }
0x14d: {  	[sflag:s23] =	ssyncset.done $0x0  }
0x14e: {  	[sflag:s23] =	ssyncadd.s32 $0xFFFFF000  }
0x14f: {  	v21 =	vld [tilespmem:s2+$0x0];
	_ =	sdelay $0x1  }
0x150: {  	s3 =	sadd.s32 $0x4, s31  }
0x151: {  	s28 =	sand.u32 $0xC, s3  }
0x152: {  	v22 =	vmov s28  }
0x153: {  	vm1 =	veq.s32 v22, v0;
	v21 =	vxor.u32 $0x80000000, v21  }
0x154: {  	v21 =	vnsel vm1, $0x80000000, v21  }
0x155: {  	(xrf0) =	vmax.scan.msk.u32 $0xffff, v21;
	_ =	sdelay $0x5  }
0x156: {  	v21, _, _ =	vpop (xrf0)  }
0x157: {  	(v2sf) =	vpush v21, $0xF;
	_ =	sdelay $0xe  }
0x158: {  	s28 =	spop (v2sf)  }
0x159: {  	s28 =	sand.u32 $0x7F, s28  }
0x15a: {  	v21 =	vor.u32 s28, v1  }
0x15b: {  	v22 =	vmov s3;
	v23 =	vor.u32 s28, v2  }
0x15c: {  	v60 =	vshll.u32 v22, $0x3  }
0x15d: {  	v22 =	vand.u32 $0x7C, v22;
	v24 =	vand.u32 $0xC00, v60  }
0x15e: {  	v22 =	vor.u32 v22, v24  }
0x15f: {  	v24 =	vor.u32 v3, v22;
	v21 =	vld.idx.msk [tilespmem:v21+s14+$0x0], $0xffff  }
0x160: {  	v22 =	vor.u32 v4, v22;
	v23 =	vld.idx.msk [tilespmem:v23+s14+$0x0], $0xffff;
	_ =	sdelay $0x3  }
0x161: {  	s3 =	sadd.s32 $0xC, s31;
	[tilespmem:v24+s19+$0x0] =	vst.idx.msk $0xffff, v21  }
0x162: {  	s28 =	sand.u32 $0x3F0, s3;
	[tilespmem:v22+s19+$0x0] =	vst.idx.msk $0xffff, v23  }
0x163: {  	v21 =	vld [tilespmem:s28+$0x0];
	_ =	sdelay $0x2  }
0x164: {  	s3 =	sand.u32 $0xC, s3  }
0x165: {  	v22 =	vmov s3  }
0x166: {  	vm1 =	veq.s32 v22, v0;
	v21 =	vxor.u32 $0x80000000, v21  }
0x167: {  	v21 =	vnsel vm1, $0x80000000, v21  }
0x168: {  	(xrf0) =	vmax.scan.msk.u32 $0xffff, v21;
	_ =	sdelay $0x5  }
0x169: {  	v21, _, _ =	vpop (xrf0)  }
0x16a: {  	(v2sf) =	vpush v21, $0xF;
	_ =	sdelay $0xe  }
0x16b: {  	s28 =	spop (v2sf)  }
0x16c: {  	s3 =	sand.u32 $0x1FFFFF80, s28  }
0x16d: {  	s3 =	sadd.s32 s0, s3  }
0x16e: {  	[tilespmem:s14], [sflag:$0x5] =	stream.strided.gather [hbm4b:s3+s9], $0x1000, s8, s9, $0x38;
	[tilespmem:$0xC200] =	vst v63  }
0x16f: {  	_ =	swait.ge [sflag:s24], $0x1000  }
0x170: {  	[sflag:s24] =	ssyncset.done $0x0  }
0x171: {  	[sflag:s24] =	ssyncadd.s32 $0xFFFFF000  }
0x172: {  	v21 =	vld [tilespmem:s2+$0x0];
	_ =	sdelay $0x1  }
0x173: {  	s3 =	sadd.s32 $0x5, s31  }
0x174: {  	s28 =	sand.u32 $0xD, s3  }
0x175: {  	v22 =	vmov s28  }
0x176: {  	vm1 =	veq.s32 v22, v0;
	v21 =	vxor.u32 $0x80000000, v21  }
0x177: {  	v21 =	vnsel vm1, $0x80000000, v21  }
0x178: {  	(xrf0) =	vmax.scan.msk.u32 $0xffff, v21;
	_ =	sdelay $0x5  }
0x179: {  	v21, _, _ =	vpop (xrf0)  }
0x17a: {  	(v2sf) =	vpush v21, $0xF;
	_ =	sdelay $0xe  }
0x17b: {  	s28 =	spop (v2sf)  }
0x17c: {  	s28 =	sand.u32 $0x7F, s28  }
0x17d: {  	v21 =	vor.u32 s28, v1  }
0x17e: {  	v22 =	vmov s3;
	v23 =	vor.u32 s28, v2  }
0x17f: {  	v61 =	vshll.u32 v22, $0x3  }
0x180: {  	v22 =	vand.u32 $0x7D, v22;
	v24 =	vand.u32 $0xC00, v61  }
0x181: {  	v22 =	vor.u32 v22, v24  }
0x182: {  	v24 =	vor.u32 v3, v22;
	v21 =	vld.idx.msk [tilespmem:v21+s15+$0x0], $0xffff  }
0x183: {  	v22 =	vor.u32 v4, v22;
	v23 =	vld.idx.msk [tilespmem:v23+s15+$0x0], $0xffff;
	_ =	sdelay $0x3  }
0x184: {  	s3 =	sadd.s32 $0xD, s31;
	[tilespmem:v24+s19+$0x0] =	vst.idx.msk $0xffff, v21  }
0x185: {  	s28 =	sand.u32 $0x3F0, s3;
	[tilespmem:v22+s19+$0x0] =	vst.idx.msk $0xffff, v23  }
0x186: {  	v21 =	vld [tilespmem:s28+$0x0];
	_ =	sdelay $0x2  }
0x187: {  	s3 =	sand.u32 $0xD, s3  }
0x188: {  	v22 =	vmov s3  }
0x189: {  	vm1 =	veq.s32 v22, v0;
	v21 =	vxor.u32 $0x80000000, v21  }
0x18a: {  	v21 =	vnsel vm1, $0x80000000, v21  }
0x18b: {  	(xrf0) =	vmax.scan.msk.u32 $0xffff, v21;
	_ =	sdelay $0x5  }
0x18c: {  	v21, _, _ =	vpop (xrf0)  }
0x18d: {  	(v2sf) =	vpush v21, $0xF;
	_ =	sdelay $0xe  }
0x18e: {  	s28 =	spop (v2sf)  }
0x18f: {  	s3 =	sand.u32 $0x1FFFFF80, s28  }
0x190: {  	s3 =	sadd.s32 s0, s3  }
0x191: {  	[tilespmem:s15], [sflag:$0x6] =	stream.strided.gather [hbm4b:s3+s9], $0x1000, s8, s9, $0x38;
	[tilespmem:$0xC200] =	vst v63  }
0x192: {  	_ =	swait.ge [sflag:s25], $0x1000  }
0x193: {  	[sflag:s25] =	ssyncset.done $0x0  }
0x194: {  	[sflag:s25] =	ssyncadd.s32 $0xFFFFF000  }
0x195: {  	v21 =	vld [tilespmem:s2+$0x0];
	_ =	sdelay $0x1  }
0x196: {  	s3 =	sadd.s32 $0x6, s31  }
0x197: {  	s28 =	sand.u32 $0xE, s3  }
0x198: {  	v22 =	vmov s28  }
0x199: {  	vm1 =	veq.s32 v22, v0;
	v21 =	vxor.u32 $0x80000000, v21  }
0x19a: {  	v21 =	vnsel vm1, $0x80000000, v21  }
0x19b: {  	(xrf0) =	vmax.scan.msk.u32 $0xffff, v21;
	_ =	sdelay $0x5  }
0x19c: {  	v21, _, _ =	vpop (xrf0)  }
0x19d: {  	(v2sf) =	vpush v21, $0xF;
	_ =	sdelay $0xe  }
0x19e: {  	s28 =	spop (v2sf)  }
0x19f: {  	s28 =	sand.u32 $0x7F, s28  }
0x1a0: {  	v21 =	vor.u32 s28, v1  }
0x1a1: {  	v22 =	vmov s3;
	v23 =	vor.u32 s28, v2  }
0x1a2: {  	v62 =	vshll.u32 v22, $0x3  }
0x1a3: {  	v22 =	vand.u32 $0x7E, v22;
	v24 =	vand.u32 $0xC00, v62  }
0x1a4: {  	v22 =	vor.u32 v22, v24  }
0x1a5: {  	v24 =	vor.u32 v3, v22;
	v21 =	vld.idx.msk [tilespmem:v21+s16+$0x0], $0xffff  }
0x1a6: {  	v22 =	vor.u32 v4, v22;
	v23 =	vld.idx.msk [tilespmem:v23+s16+$0x0], $0xffff;
	_ =	sdelay $0x3  }
0x1a7: {  	s3 =	sadd.s32 $0xE, s31;
	[tilespmem:v24+s19+$0x0] =	vst.idx.msk $0xffff, v21  }
0x1a8: {  	s28 =	sand.u32 $0x3F0, s3;
	[tilespmem:v22+s19+$0x0] =	vst.idx.msk $0xffff, v23  }
0x1a9: {  	v21 =	vld [tilespmem:s28+$0x0];
	_ =	sdelay $0x2  }
0x1aa: {  	s3 =	sand.u32 $0xE, s3  }
0x1ab: {  	v22 =	vmov s3  }
0x1ac: {  	vm1 =	veq.s32 v22, v0;
	v21 =	vxor.u32 $0x80000000, v21  }
0x1ad: {  	v21 =	vnsel vm1, $0x80000000, v21  }
0x1ae: {  	(xrf0) =	vmax.scan.msk.u32 $0xffff, v21;
	_ =	sdelay $0x5  }
0x1af: {  	v21, _, _ =	vpop (xrf0)  }
0x1b0: {  	(v2sf) =	vpush v21, $0xF;
	_ =	sdelay $0xe  }
0x1b1: {  	s28 =	spop (v2sf)  }
0x1b2: {  	s3 =	sand.u32 $0x1FFFFF80, s28  }
0x1b3: {  	s3 =	sadd.s32 s0, s3  }
0x1b4: {  	[tilespmem:s16], [sflag:$0x7] =	stream.strided.gather [hbm4b:s3+s9], $0x1000, s8, s9, $0x38;
	[tilespmem:$0xC200] =	vst v63  }
0x1b5: {  	_ =	swait.ge [sflag:s26], $0x1000  }
0x1b6: {  	[sflag:s26] =	ssyncset.done $0x0  }
0x1b7: {  	[sflag:s26] =	ssyncadd.s32 $0xFFFFF000  }
0x1b8: {  	v21 =	vld [tilespmem:s2+$0x0];
	_ =	sdelay $0x1  }
0x1b9: {  	s2 =	sadd.s32 $0x7, s31  }
0x1ba: {  	s28 =	sand.u32 $0xF, s2  }
0x1bb: {  	v22 =	vmov s28  }
0x1bc: {  	vm1 =	veq.s32 v22, v0;
	v21 =	vxor.u32 $0x80000000, v21  }
0x1bd: {  	v21 =	vnsel vm1, $0x80000000, v21  }
0x1be: {  	(xrf0) =	vmax.scan.msk.u32 $0xffff, v21;
	_ =	sdelay $0x5  }
0x1bf: {  	v21, _, _ =	vpop (xrf0)  }
0x1c0: {  	(v2sf) =	vpush v21, $0xF;
	_ =	sdelay $0xe  }
0x1c1: {  	s28 =	spop (v2sf)  }
0x1c2: {  	s3 =	sand.u32 $0x7F, s28  }
0x1c3: {  	v21 =	vor.u32 s3, v1  }
0x1c4: {  	v22 =	vmov s2;
	v23 =	vor.u32 s3, v2  }
0x1c5: {  	v63 =	vshll.u32 v22, $0x3  }
0x1c6: {  	v22 =	vand.u32 $0x7F, v22;
	v24 =	vand.u32 $0xC00, v63  }
0x1c7: {  	v22 =	vor.u32 v22, v24  }
0x1c8: {  	v24 =	vor.u32 v3, v22;
	v21 =	vld.idx.msk [tilespmem:v21+s17+$0x0], $0xffff  }
0x1c9: {  	v22 =	vor.u32 v4, v22;
	v23 =	vld.idx.msk [tilespmem:v23+s17+$0x0], $0xffff;
	_ =	sdelay $0x3  }
0x1ca: {  	s2 =	sadd.s32 $0xF, s31;
	[tilespmem:v24+s19+$0x0] =	vst.idx.msk $0xffff, v21  }
0x1cb: {  	s28 =	sand.u32 $0x3F0, s2;
	[tilespmem:v22+s19+$0x0] =	vst.idx.msk $0xffff, v23  }
0x1cc: {  	v21 =	vld [tilespmem:s28+$0x0];
	_ =	sdelay $0x2  }
0x1cd: {  	s2 =	sand.u32 $0xF, s2  }
0x1ce: {  	v22 =	vmov s2  }
0x1cf: {  	vm1 =	veq.s32 v22, v0;
	v21 =	vxor.u32 $0x80000000, v21  }
0x1d0: {  	v21 =	vnsel vm1, $0x80000000, v21  }
0x1d1: {  	(xrf0) =	vmax.scan.msk.u32 $0xffff, v21;
	_ =	sdelay $0x5  }
0x1d2: {  	v21, _, _ =	vpop (xrf0)  }
0x1d3: {  	(v2sf) =	vpush v21, $0xF;
	_ =	sdelay $0xc  }
0x1d4: {  	p0 =	sne.s32 s31, $0x1F0  }
.Ltmp0:
0x1d5: {  	_ = 	snop;
	(pc) =	sbr.rel @p0 .LBB2_2-.Ltmp0, $4  }
0x1d6: {  	s28 =	spop (v2sf)  }
0x1d7: {  	s2 =	sand.u32 $0x1FFFFF80, s28  }
0x1d8: {  	s31 =	smov.u32 s1;
	s2 =	sadd.s32 s0, s2  }
0x1d9: {  	[tilespmem:s17], [sflag:$0x8] =	stream.strided.gather [hbm4b:s2+s9], $0x1000, s8, s9, $0x38;
	[tilespmem:$0xC200] =	vst v63  }
0x1da: {  	_ =	swait.ge [sflag:s18], $0x1000  }
0x1db: {  	[sflag:s18] =	ssyncset.done $0x0  }
0x1dc: {  	[sflag:s18] =	ssyncadd.s32 $0xFFFFF000  }
0x1dd: {  	v21 =	vld [tilespmem:$0x1F0];
	_ =	sdelay $0x4  }
0x1de: {  	v21 =	vsel vm8, $0x0, v21  }
0x1df: {  	v21 =	vxor.u32 $0x80000000, v21  }
0x1e0: {  	(xrf0) =	vmax.scan.msk.u32 $0xffff, v21;
	_ =	sdelay $0x5  }
0x1e1: {  	v21, _, _ =	vpop (xrf0)  }
0x1e2: {  	(v2sf) =	vpush v21, $0xF;
	_ =	sdelay $0xe  }
0x1e3: {  	s1 =	spop (v2sf)  }
0x1e4: {  	s1 =	sand.u32 $0x7F, s1  }
0x1e5: {  	v21 =	vor.u32 s1, v1  }
0x1e6: {  	v22 =	vor.u32 s1, v2;
	_ =	sdelay $0x3  }
0x1e7: {  	v21 =	vld.idx.msk [tilespmem:v21+s10+$0x0], $0xffff  }
0x1e8: {  	v22 =	vld.idx.msk [tilespmem:v22+s10+$0x0], $0xffff;
	_ =	sdelay $0x3  }
0x1e9: {  	[tilespmem:v5+s19+$0x0] =	vst.idx.msk $0xffff, v21  }
0x1ea: {  	[tilespmem:v6+s19+$0x0] =	vst.idx.msk $0xffff, v22  }
0x1eb: {  	_ =	swait.ge [sflag:s20], $0x1000  }
0x1ec: {  	[sflag:s20] =	ssyncset.done $0x0  }
0x1ed: {  	[sflag:s20] =	ssyncadd.s32 $0xFFFFF000  }
0x1ee: {  	v21 =	vld [tilespmem:$0x1F0];
	_ =	sdelay $0x4  }
0x1ef: {  	v21 =	vsel vm9, $0x0, v21  }
0x1f0: {  	v21 =	vxor.u32 $0x80000000, v21  }
0x1f1: {  	(xrf0) =	vmax.scan.msk.u32 $0xffff, v21;
	_ =	sdelay $0x5  }
0x1f2: {  	v21, _, _ =	vpop (xrf0)  }
0x1f3: {  	(v2sf) =	vpush v21, $0xF;
	_ =	sdelay $0xe  }
0x1f4: {  	s2 =	spop (v2sf)  }
0x1f5: {  	s1 =	sand.u32 $0x7F, s2  }
0x1f6: {  	v21 =	vor.u32 s1, v1  }
0x1f7: {  	v22 =	vor.u32 s1, v2;
	_ =	sdelay $0x3  }
0x1f8: {  	v21 =	vld.idx.msk [tilespmem:v21+s11+$0x0], $0xffff  }
0x1f9: {  	v22 =	vld.idx.msk [tilespmem:v22+s11+$0x0], $0xffff;
	_ =	sdelay $0x3  }
0x1fa: {  	[tilespmem:v7+s19+$0x0] =	vst.idx.msk $0xffff, v21  }
0x1fb: {  	[tilespmem:v8+s19+$0x0] =	vst.idx.msk $0xffff, v22  }
0x1fc: {  	_ =	swait.ge [sflag:s21], $0x1000  }
0x1fd: {  	[sflag:s21] =	ssyncset.done $0x0  }
0x1fe: {  	[sflag:s21] =	ssyncadd.s32 $0xFFFFF000  }
0x1ff: {  	v21 =	vld [tilespmem:$0x1F0];
	_ =	sdelay $0x4  }
0x200: {  	v21 =	vsel vm10, $0x0, v21  }
0x201: {  	v21 =	vxor.u32 $0x80000000, v21  }
0x202: {  	(xrf0) =	vmax.scan.msk.u32 $0xffff, v21;
	_ =	sdelay $0x5  }
0x203: {  	v21, _, _ =	vpop (xrf0)  }
0x204: {  	(v2sf) =	vpush v21, $0xF;
	_ =	sdelay $0xe  }
0x205: {  	s3 =	spop (v2sf)  }
0x206: {  	s1 =	sand.u32 $0x7F, s3  }
0x207: {  	v21 =	vor.u32 s1, v1  }
0x208: {  	v22 =	vor.u32 s1, v2;
	_ =	sdelay $0x3  }
0x209: {  	v21 =	vld.idx.msk [tilespmem:v21+s12+$0x0], $0xffff  }
0x20a: {  	v22 =	vld.idx.msk [tilespmem:v22+s12+$0x0], $0xffff;
	_ =	sdelay $0x3  }
0x20b: {  	[tilespmem:v9+s19+$0x0] =	vst.idx.msk $0xffff, v21  }
0x20c: {  	[tilespmem:v10+s19+$0x0] =	vst.idx.msk $0xffff, v22  }
0x20d: {  	_ =	swait.ge [sflag:s22], $0x1000  }
0x20e: {  	[sflag:s22] =	ssyncset.done $0x0  }
0x20f: {  	[sflag:s22] =	ssyncadd.s32 $0xFFFFF000  }
0x210: {  	v21 =	vld [tilespmem:$0x1F0];
	_ =	sdelay $0x4  }
0x211: {  	v21 =	vsel vm11, $0x0, v21  }
0x212: {  	v21 =	vxor.u32 $0x80000000, v21  }
0x213: {  	(xrf0) =	vmax.scan.msk.u32 $0xffff, v21;
	_ =	sdelay $0x5  }
0x214: {  	v21, _, _ =	vpop (xrf0)  }
0x215: {  	(v2sf) =	vpush v21, $0xF;
	_ =	sdelay $0xe  }
0x216: {  	s28 =	spop (v2sf)  }
0x217: {  	s1 =	sand.u32 $0x7F, s28  }
0x218: {  	v21 =	vor.u32 s1, v1  }
0x219: {  	v22 =	vor.u32 s1, v2;
	_ =	sdelay $0x3  }
0x21a: {  	v21 =	vld.idx.msk [tilespmem:v21+s13+$0x0], $0xffff  }
0x21b: {  	v22 =	vld.idx.msk [tilespmem:v22+s13+$0x0], $0xffff;
	_ =	sdelay $0x3  }
0x21c: {  	[tilespmem:v11+s19+$0x0] =	vst.idx.msk $0xffff, v21  }
0x21d: {  	[tilespmem:v12+s19+$0x0] =	vst.idx.msk $0xffff, v22  }
0x21e: {  	_ =	swait.ge [sflag:s23], $0x1000  }
0x21f: {  	[sflag:s23] =	ssyncset.done $0x0  }
0x220: {  	[sflag:s23] =	ssyncadd.s32 $0xFFFFF000  }
0x221: {  	v21 =	vld [tilespmem:$0x1F0];
	_ =	sdelay $0x4  }
0x222: {  	v21 =	vsel vm12, $0x0, v21  }
0x223: {  	v21 =	vxor.u32 $0x80000000, v21  }
0x224: {  	(xrf0) =	vmax.scan.msk.u32 $0xffff, v21;
	_ =	sdelay $0x5  }
0x225: {  	v21, _, _ =	vpop (xrf0)  }
0x226: {  	(v2sf) =	vpush v21, $0xF;
	_ =	sdelay $0xe  }
0x227: {  	s31 =	spop (v2sf)  }
0x228: {  	s1 =	sand.u32 $0x7F, s31  }
0x229: {  	v21 =	vor.u32 s1, v1  }
0x22a: {  	v22 =	vor.u32 s1, v2;
	_ =	sdelay $0x3  }
0x22b: {  	v21 =	vld.idx.msk [tilespmem:v21+s14+$0x0], $0xffff  }
0x22c: {  	v22 =	vld.idx.msk [tilespmem:v22+s14+$0x0], $0xffff;
	_ =	sdelay $0x3  }
0x22d: {  	[tilespmem:v13+s19+$0x0] =	vst.idx.msk $0xffff, v21  }
0x22e: {  	[tilespmem:v14+s19+$0x0] =	vst.idx.msk $0xffff, v22  }
0x22f: {  	_ =	swait.ge [sflag:s24], $0x1000  }
0x230: {  	[sflag:s24] =	ssyncset.done $0x0  }
0x231: {  	[sflag:s24] =	ssyncadd.s32 $0xFFFFF000  }
0x232: {  	v21 =	vld [tilespmem:$0x1F0];
	_ =	sdelay $0x4  }
0x233: {  	v21 =	vsel vm13, $0x0, v21  }
0x234: {  	v21 =	vxor.u32 $0x80000000, v21  }
0x235: {  	(xrf0) =	vmax.scan.msk.u32 $0xffff, v21;
	_ =	sdelay $0x5  }
0x236: {  	v21, _, _ =	vpop (xrf0)  }
0x237: {  	(v2sf) =	vpush v21, $0xF;
	_ =	sdelay $0xe  }
0x238: {  	s2 =	spop (v2sf)  }
0x239: {  	s1 =	sand.u32 $0x7F, s2  }
0x23a: {  	v21 =	vor.u32 s1, v1  }
0x23b: {  	v22 =	vor.u32 s1, v2;
	_ =	sdelay $0x3  }
0x23c: {  	v21 =	vld.idx.msk [tilespmem:v21+s15+$0x0], $0xffff  }
0x23d: {  	v22 =	vld.idx.msk [tilespmem:v22+s15+$0x0], $0xffff;
	_ =	sdelay $0x3  }
0x23e: {  	[tilespmem:v15+s19+$0x0] =	vst.idx.msk $0xffff, v21  }
0x23f: {  	[tilespmem:v16+s19+$0x0] =	vst.idx.msk $0xffff, v22  }
0x240: {  	_ =	swait.ge [sflag:s25], $0x1000  }
0x241: {  	[sflag:s25] =	ssyncset.done $0x0  }
0x242: {  	[sflag:s25] =	ssyncadd.s32 $0xFFFFF000  }
0x243: {  	v21 =	vld [tilespmem:$0x1F0];
	_ =	sdelay $0x4  }
0x244: {  	v21 =	vsel vm14, $0x0, v21  }
0x245: {  	v21 =	vxor.u32 $0x80000000, v21  }
0x246: {  	(xrf0) =	vmax.scan.msk.u32 $0xffff, v21;
	_ =	sdelay $0x5  }
0x247: {  	v21, _, _ =	vpop (xrf0)  }
0x248: {  	(v2sf) =	vpush v21, $0xF;
	_ =	sdelay $0xe  }
0x249: {  	s3 =	spop (v2sf)  }
0x24a: {  	s1 =	sand.u32 $0x7F, s3  }
0x24b: {  	v21 =	vor.u32 s1, v1  }
0x24c: {  	v22 =	vor.u32 s1, v2;
	_ =	sdelay $0x3  }
0x24d: {  	v21 =	vld.idx.msk [tilespmem:v21+s16+$0x0], $0xffff  }
0x24e: {  	v22 =	vld.idx.msk [tilespmem:v22+s16+$0x0], $0xffff;
	_ =	sdelay $0x3  }
0x24f: {  	[tilespmem:v17+s19+$0x0] =	vst.idx.msk $0xffff, v21  }
0x250: {  	[tilespmem:v18+s19+$0x0] =	vst.idx.msk $0xffff, v22  }
0x251: {  	_ =	swait.ge [sflag:s26], $0x1000  }
0x252: {  	[sflag:s26] =	ssyncset.done $0x0  }
0x253: {  	[sflag:s26] =	ssyncadd.s32 $0xFFFFF000  }
0x254: {  	v21 =	vld [tilespmem:$0x1F0];
	_ =	sdelay $0x3  }
0x255: {  	vm1 =	vmmov $0x7fff  }
0x256: {  	v21 =	vsel vm1, $0x0, v21  }
0x257: {  	v21 =	vxor.u32 $0x80000000, v21  }
0x258: {  	(xrf0) =	vmax.scan.msk.u32 $0xffff, v21;
	_ =	sdelay $0x5  }
0x259: {  	v21, _, _ =	vpop (xrf0)  }
0x25a: {  	(v2sf) =	vpush v21, $0xF;
	_ =	sdelay $0xe  }
0x25b: {  	s28 =	spop (v2sf)  }
0x25c: {  	s1 =	sand.u32 $0x7F, s28  }
0x25d: {  	v21 =	vor.u32 s1, v1  }
0x25e: {  	v22 =	vor.u32 s1, v2;
	_ =	sdelay $0x3  }
0x25f: {  	v21 =	vld.idx.msk [tilespmem:v21+s17+$0x0], $0xffff  }
0x260: {  	v22 =	vld.idx.msk [tilespmem:v22+s17+$0x0], $0xffff;
	_ =	sdelay $0x3  }
0x261: {  	s30 =	sadd.s32 $0x1, s30;
	[tilespmem:v19+s19+$0x0] =	vst.idx.msk $0xffff, v21  }
0x262: {  	p0 =	sne.s32 s30, s6;
	[tilespmem:v20+s19+$0x0] =	vst.idx.msk $0xffff, v22  }
.Ltmp1:
0x263: {  	s31 =	simm.s32 $0x1000;
	[bflag:$0x0] =	sbarrier.arrive $0xFFFF;
	(pc) =	sbr.rel @p0 .LBB2_1-.Ltmp1, $4  }
0x264: {  	[hbm4b:s5+s31] =	stream.strided.scatter [tilespmem:s19], [sflag:$0x9], $0x4000, s29, s31, $0x38;
	[tilespmem:$0xC200] =	vst v63  }
0x265: {  	_ =	swait.ge [sflag:s7], $0x4000  }
0x266: {  	[sflag:s7] =	ssyncset.done $0x0  }
0x267: {  	[sflag:s7] =	ssyncadd.s32 $0xFFFFC000  }
0x268: {  	_ =	sfence.sel $0x180000  }
0x269: {  	[bflag:$0x0] =	sbarrier.arrive $0xFFFF  }
0x26a: {  	_ =	strace $0x90000047  }
0x26b: {  	s0 =	stileid.u32;
	[bflag:$0x2] =	sbarrier.arrive $0xFFFF  }
0x26c: {  	p0 =	sne.s32 s0, $0x0;
	s0 =	rddreg [dreg:$0x3]  }
0x26d: {  	s0 =	sadd.s32 @!p0 $0x100000, s0  }
0x26e: {  	[sflag:s0] =	ssyncadd.tile.s32 @!p0 $0x1;
	_ =	shalt  }
.Lfunc_end2:
_tile_overlayer_lowered:
.L_overlay_start_2:
0x26f: {  	(tag) =	ssettag $0x2  }
0x270: {  	s0 =	rddreg [dreg:$0x0];
	s2 =	stileid.u32  }
0x271: {  	s1 =	rddreg [dreg:$0x1];
	p0 =	sne.s32 s2, $0x0  }
0x272: {  	s3 =	rddreg [dreg:$0x2];
	[bflag:$0x3] =	sbarrier.arrive $0xFFFF;
	s2 =	simm.s32 @!p0 $0x1C09  }
0x273: {  	[timem:s3], [sflag:s2] =	dma.local @!p0 [hbm:s0], s1  }
0x274: {  	s0 =	simm.s32 @!p0 $0x9  }
0x275: {  	_ =	swait.ge @!p0 [sflag:s0], s1  }
0x276: {  	s1 =	ssub.s32 @!p0 $0x0, s1;
	[sflag:s0] =	ssyncset.done @!p0 $0x0  }
0x277: {  	[sflag:s0] =	ssyncadd.s32 @!p0 s1  }
0x278: {  	[bflag:$0x3] =	sbarrier.arrive $0xFFFF  }
0x279: {  	_ =	shalt  }

</sc_bundles>
